<compile_context>
chip_gen: v7x
topology: tpu7x:2x2x1
jax: 0.10.2.dev20260603
libtpu: 0.0.44.dev20260713+nightly
codegen_flags: <defaults>
</compile_context>

<pallas_src>
import jax
import jax.numpy as jnp
from jax import lax
from jax.experimental import pallas as pl
from jax.experimental.pallas import tpu as pltpu
from jax.experimental.pallas import tpu_sc as plsc

F32 = jnp.float32
_HIGH = jax.lax.Precision.HIGHEST

_NC = 2
_NS = 16
_NW = _NC * _NS
_W = 128


def _sc_edge_agg(h, src2d, dst2d, *, n_pad, with_deg):
    d = h.shape[1]
    total_rows = src2d.shape[0]
    x_rows = n_pad // _NS

    mesh = plsc.VectorSubcoreMesh(core_axis_name="c", subcore_axis_name="s",
                                  num_cores=_NC, num_subcores=_NS)
    out_type = jax.ShapeDtypeStruct((_NC * n_pad, d), F32)

    chunk = 8
    scratch = [
        pltpu.VMEM((chunk, _W), jnp.int32),
        pltpu.VMEM((chunk, _W), jnp.int32),
        pltpu.VMEM((_W, d), F32),
        pltpu.VMEM((_W, d), F32),
        pltpu.VMEM_SHARED((n_pad, d), F32),
        pltpu.SemaphoreType.DMA,
        pltpu.SemaphoreType.DMA,
    ]

    def body(h_hbm, src_hbm, dst_hbm, out_hbm, src_v, dst_v, bufa, bufb,
             acc, sema, semb):
        c = lax.axis_index("c")
        s = lax.axis_index("s")
        zeros16 = jnp.zeros((16,), F32)
        one_col = jnp.where(lax.iota(jnp.int32, 16) == 0,
                            jnp.float32(1.0), jnp.float32(0.0))

        @pl.loop(0, _W)
        def _(r):
            @pl.loop(0, d, step=16)
            def _(cc):
                bufa[r, pl.ds(cc, 16)] = zeros16

        zbase = s * x_rows

        @pl.loop(0, x_rows, step=_W)
        def _(r):
            pltpu.sync_copy(bufa, acc.at[pl.ds(zbase + r, _W)])

        plsc.subcore_barrier()

        if with_deg:
            rows_w = total_rows // _NS
            row0 = s * rows_w

            @pl.when(c == 0)
            def _():
                @pl.loop(0, rows_w, step=chunk)
                def _(j0):
                    pltpu.sync_copy(src_hbm.at[pl.ds(row0 + j0, chunk)],
                                    src_v)
                    pltpu.sync_copy(dst_hbm.at[pl.ds(row0 + j0, chunk)],
                                    dst_v)
                    cpa = pltpu.async_copy(h_hbm.at[src_v.at[0]], bufa, sema)

                    @pl.loop(0, chunk, step=2)
                    def _(j):
                        cpb = pltpu.async_copy(h_hbm.at[src_v.at[j + 1]],
                                               bufb, semb)
                        pltpu.make_async_copy(h_hbm.at[src_v.at[j]], bufa,
                                              sema).wait()
                        pltpu.sync_copy(bufa, acc.at[dst_v.at[j]], add=True)

                        @pl.when(j + 2 < chunk)
                        def _():
                            pltpu.async_copy(h_hbm.at[src_v.at[j + 2]],
                                             bufa, sema)

                        pltpu.make_async_copy(h_hbm.at[src_v.at[j + 1]],
                                              bufb, semb).wait()
                        pltpu.sync_copy(bufb, acc.at[dst_v.at[j + 1]],
                                        add=True)

            @pl.when(c == 1)
            def _():
                @pl.loop(0, _W)
                def _(r):
                    bufa[r, pl.ds(0, 16)] = one_col

                @pl.loop(0, rows_w, step=chunk)
                def _(j0):
                    pltpu.sync_copy(dst_hbm.at[pl.ds(row0 + j0, chunk)],
                                    dst_v)

                    @pl.loop(0, chunk)
                    def _(j):
                        pltpu.sync_copy(bufa, acc.at[dst_v.at[j]], add=True)
        else:
            rows_w = total_rows // _NW
            row0 = (s * _NC + c) * rows_w

            @pl.loop(0, rows_w, step=chunk)
            def _(j0):
                pltpu.sync_copy(src_hbm.at[pl.ds(row0 + j0, chunk)], src_v)
                pltpu.sync_copy(dst_hbm.at[pl.ds(row0 + j0, chunk)], dst_v)
                pltpu.async_copy(h_hbm.at[src_v.at[0]], bufa, sema)

                @pl.loop(0, chunk, step=2)
                def _(j):
                    pltpu.async_copy(h_hbm.at[src_v.at[j + 1]], bufb, semb)
                    pltpu.make_async_copy(h_hbm.at[src_v.at[j]], bufa,
                                          sema).wait()
                    pltpu.sync_copy(bufa, acc.at[dst_v.at[j]], add=True)

                    @pl.when(j + 2 < chunk)
                    def _():
                        pltpu.async_copy(h_hbm.at[src_v.at[j + 2]], bufa,
                                         sema)

                    pltpu.make_async_copy(h_hbm.at[src_v.at[j + 1]], bufb,
                                          semb).wait()
                    pltpu.sync_copy(bufb, acc.at[dst_v.at[j + 1]], add=True)

        plsc.subcore_barrier()

        @pl.loop(0, x_rows, step=_W)
        def _(r):
            pltpu.sync_copy(acc.at[pl.ds(zbase + r, _W)],
                            out_hbm.at[pl.ds(c * n_pad + zbase + r, _W)])

    kern = pl.kernel(body, out_type=out_type, mesh=mesh,
                     scratch_types=scratch)
    return kern(h, src2d, dst2d)


def _embed_body(x_ref, w_ref, b_ref, o_ref):
    o_ref[...] = (
        jnp.dot(x_ref[...], w_ref[...], preferred_element_type=F32,
                precision=_HIGH)
        + b_ref[...]
    )


def _sage_first_body(parts_ref, h_ref, wl_ref, bl_ref, wr_ref,
                     o_ref, dego_ref):
    deg = parts_ref[1, :, 0:16]
    _sage_common(parts_ref[0], deg, h_ref[...], wl_ref, bl_ref, wr_ref,
                 o_ref)
    dego_ref[...] = deg


def _sage_second_body(parts_ref, deg_ref, h_ref, wl_ref, bl_ref, wr_ref,
                      o_ref):
    summ = parts_ref[0] + parts_ref[1]
    _sage_common(summ, deg_ref[...], h_ref[...], wl_ref, bl_ref, wr_ref,
                 o_ref)


def _sage_common(summ, deg, h, wl_ref, bl_ref, wr_ref, o_ref):
    mean = summ / jnp.maximum(deg[:, 0:1], 1.0)
    out = (
        jnp.dot(mean, wl_ref[...], preferred_element_type=F32, precision=_HIGH)
        + bl_ref[...]
        + jnp.dot(h, wr_ref[...], preferred_element_type=F32,
                  precision=_HIGH)
    )
    o_ref[...] = jnp.maximum(out, 0.0)


def _readout_body(h_ref, batch_ref, wa_ref, wo_ref, bo_ref, ba_smem, o_ref):
    h = h_ref[...]
    s = jnp.sum(h * wa_ref[...], axis=1, keepdims=True) + ba_smem[0]
    m = jnp.max(s)
    e = jnp.exp(s - m)
    w = e / jnp.sum(e)
    wh = h * w
    batch = batch_ref[...]
    rows = []
    for gg in range(16):
        mask = (batch == gg).astype(F32)
        rows.append(jnp.sum(wh * mask, axis=0, keepdims=True))
    pooled = jnp.concatenate(rows, axis=0)
    o_ref[...] = (
        jnp.dot(pooled, wo_ref[...], preferred_element_type=F32,
                precision=_HIGH)
        + bo_ref[...]
    )


def _row_block(n):
    for b in (2000, 1000, 500, 8):
        if n % b == 0:
            return b
    return n


def kernel(x, edge_index, batch, W_emb, b_emb, Wl0, bl0, Wr0, Wl1, bl1, Wr1,
           Wa, ba, W_out, b_out):
    n, d_in = x.shape
    d_h = W_emb.shape[1]
    d_out = W_out.shape[1]
    e = edge_index.shape[1]
    g = 16

    ep = -(-e // (_NW * _W * 8)) * (_NW * _W * 8)
    n_pad = -(-(n + 1) // (_NS * _W)) * (_NS * _W)
    pad = ep - e
    src = edge_index[0]
    dst = edge_index[1]
    if pad:
        filler = jnp.arange(pad, dtype=jnp.int32)
        src = jnp.concatenate([src, filler % n])
        dst = jnp.concatenate([dst, n + (filler % (n_pad - n))])
    src2d = src.reshape(ep // _W, _W)
    dst2d = dst.reshape(ep // _W, _W)

    blk = _row_block(n)
    grid = (n // blk,)

    h0 = pl.pallas_call(
        _embed_body,
        grid=grid,
        in_specs=[
            pl.BlockSpec((blk, d_in), lambda i: (i, 0)),
            pl.BlockSpec((d_in, d_h), lambda i: (0, 0)),
            pl.BlockSpec((1, d_h), lambda i: (0, 0)),
        ],
        out_specs=pl.BlockSpec((blk, d_h), lambda i: (i, 0)),
        out_shape=jax.ShapeDtypeStruct((n, d_h), F32),
    )(x, W_emb, b_emb.reshape(1, d_h))

    parts0 = _sc_edge_agg(h0, src2d, dst2d, n_pad=n_pad, with_deg=True)
    parts0 = parts0.reshape(_NC, n_pad, d_h)
    h1, deg = pl.pallas_call(
        _sage_first_body,
        grid=grid,
        in_specs=[
            pl.BlockSpec((2, blk, d_h), lambda i: (0, i, 0)),
            pl.BlockSpec((blk, d_h), lambda i: (i, 0)),
            pl.BlockSpec((d_h, d_h), lambda i: (0, 0)),
            pl.BlockSpec((1, d_h), lambda i: (0, 0)),
            pl.BlockSpec((d_h, d_h), lambda i: (0, 0)),
        ],
        out_specs=[pl.BlockSpec((blk, d_h), lambda i: (i, 0)),
                   pl.BlockSpec((blk, 16), lambda i: (i, 0))],
        out_shape=[jax.ShapeDtypeStruct((n, d_h), F32),
                   jax.ShapeDtypeStruct((n, 16), F32)],
    )(parts0, h0, Wl0, bl0.reshape(1, d_h), Wr0)

    parts1 = _sc_edge_agg(h1, src2d, dst2d, n_pad=n_pad, with_deg=False)
    parts1 = parts1.reshape(_NC, n_pad, d_h)
    h2 = pl.pallas_call(
        _sage_second_body,
        grid=grid,
        in_specs=[
            pl.BlockSpec((2, blk, d_h), lambda i: (0, i, 0)),
            pl.BlockSpec((blk, 16), lambda i: (i, 0)),
            pl.BlockSpec((blk, d_h), lambda i: (i, 0)),
            pl.BlockSpec((d_h, d_h), lambda i: (0, 0)),
            pl.BlockSpec((1, d_h), lambda i: (0, 0)),
            pl.BlockSpec((d_h, d_h), lambda i: (0, 0)),
        ],
        out_specs=pl.BlockSpec((blk, d_h), lambda i: (i, 0)),
        out_shape=jax.ShapeDtypeStruct((n, d_h), F32),
    )(parts1, deg, h1, Wl1, bl1.reshape(1, d_h), Wr1)

    out = pl.pallas_call(
        _readout_body,
        grid=(1,),
        in_specs=[
            pl.BlockSpec((n, d_h), lambda i: (0, 0)),
            pl.BlockSpec((n, 1), lambda i: (0, 0)),
            pl.BlockSpec((1, d_h), lambda i: (0, 0)),
            pl.BlockSpec((d_h, d_out), lambda i: (0, 0)),
            pl.BlockSpec((1, d_out), lambda i: (0, 0)),
            pl.BlockSpec(memory_space=pltpu.SMEM),
        ],
        out_specs=pl.BlockSpec((g, d_out), lambda i: (0, 0)),
        out_shape=jax.ShapeDtypeStruct((g, d_out), F32),
    )(h2, batch.reshape(n, 1), Wa.reshape(1, d_h), W_out,
      b_out.reshape(1, d_out), ba)
    return out

# --- scband reference (transcript-rebuilt; emitter-appended) ---
"""Pipeline reference for scband-wiki-graph-sage-3246995276182 (READ-ONLY COPY).

The authoritative reference and input builder live on the scoring server;
editing this copy changes nothing except your own understanding.
"""

import jax, jax.numpy as jnp
import numpy as np

N = 10000
E = 320000
D_IN = 128
D_H = 128
D_OUT = 128
G = 16


def setup_inputs(seed: int = 0) -> dict:
    key = jax.random.key(seed)
    ks = jax.random.split(key, 16)
    x = jax.random.normal(ks[0], (N, D_IN), dtype=jnp.float32)
    edge_index = jax.random.randint(ks[1], (2, E), 0, N, dtype=jnp.int32)
    batch = jnp.sort(jax.random.randint(ks[2], (N,), 0, G, dtype=jnp.int32))
    s_in = 1.0 / np.sqrt(D_IN)
    s_h = 1.0 / np.sqrt(D_H)
    W_emb = jax.random.normal(ks[3], (D_IN, D_H), dtype=jnp.float32) * s_in
    b_emb = jnp.zeros((D_H,), dtype=jnp.float32)
    Wl0 = jax.random.normal(ks[4], (D_H, D_H), dtype=jnp.float32) * s_h
    bl0 = jnp.zeros((D_H,), dtype=jnp.float32)
    Wr0 = jax.random.normal(ks[5], (D_H, D_H), dtype=jnp.float32) * s_h
    Wl1 = jax.random.normal(ks[6], (D_H, D_H), dtype=jnp.float32) * s_h
    bl1 = jnp.zeros((D_H,), dtype=jnp.float32)
    Wr1 = jax.random.normal(ks[7], (D_H, D_H), dtype=jnp.float32) * s_h
    Wa = jax.random.normal(ks[8], (D_H, 1), dtype=jnp.float32) * s_h
    ba = jnp.zeros((1,), dtype=jnp.float32)
    W_out = jax.random.normal(ks[9], (D_H, D_OUT), dtype=jnp.float32) * s_h
    b_out = jnp.zeros((D_OUT,), dtype=jnp.float32)
    return {"x": x, "edge_index": edge_index, "batch": batch,
            "W_emb": W_emb, "b_emb": b_emb,
            "Wl0": Wl0, "bl0": bl0, "Wr0": Wr0,
            "Wl1": Wl1, "bl1": bl1, "Wr1": Wr1,
            "Wa": Wa, "ba": ba, "W_out": W_out, "b_out": b_out}


def _sage_conv(h, src, dst, Wl, bl, Wr):
    # PyG SAGEConv with mean aggregation: out = lin_l(mean_agg(x_j)) + lin_r(x)
    msg = jnp.take(h, src, axis=0)
    summed = jax.ops.segment_sum(msg, dst, num_segments=N)
    deg = jax.ops.segment_sum(jnp.ones((src.shape[0],), dtype=h.dtype), dst, num_segments=N)
    mean = summed / jnp.clip(deg, 1.0)[:, None]
    return mean @ Wl + bl + h @ Wr


def reference(x, edge_index, batch, W_emb, b_emb, Wl0, bl0, Wr0, Wl1, bl1, Wr1, Wa, ba, W_out, b_out):
    src = edge_index[0]
    dst = edge_index[1]
    h = x @ W_emb + b_emb
    h = _sage_conv(h, src, dst, Wl0, bl0, Wr0)
    h = jax.nn.relu(h)
    # dropout p=0.1 is identity in eval mode
    h = _sage_conv(h, src, dst, Wl1, bl1, Wr1)
    h = jax.nn.relu(h)
    # AttentionReadout: softmax over all nodes (dim=0), weighted sum pooled per graph
    scores = h @ Wa + ba
    weights = jax.nn.softmax(scores, axis=0)
    weighted = h * weights
    pooled = jax.ops.segment_sum(weighted, batch, num_segments=G)
    out = pooled @ W_out + b_out
    return out

if __name__ == "__main__":
    import jax
    _d = setup_inputs()
    print(jax.jit(kernel)(*tuple(_d.values())))

</pallas_src>

<mosaic_0001>
#map = affine_map<(d0, d1) -> (0, 0)>
module attributes {stable_mosaic.version = 14 : i64} {
  func.func @body(%arg0: i32, %arg1: i32, %arg2: memref<10000x128xf32, #tpu.memory_space<hbm>>, %arg3: memref<2560x128xi32, #tpu.memory_space<hbm>>, %arg4: memref<2560x128xi32, #tpu.memory_space<hbm>>, %arg5: memref<20480x128xf32, #tpu.memory_space<hbm>>, %arg6: memref<8x128xi32, #tpu.memory_space<vmem>>, %arg7: memref<8x128xi32, #tpu.memory_space<vmem>>, %arg8: memref<128x128xf32, #tpu.memory_space<vmem>>, %arg9: memref<128x128xf32, #tpu.memory_space<vmem>>, %arg10: memref<10240x128xf32, #tpu.memory_space<vmem_shared>>, %arg11: memref<!tpu.dma_semaphore, #tpu.memory_space<semaphore_mem>>, %arg12: memref<!tpu.dma_semaphore, #tpu.memory_space<semaphore_mem>>) attributes {dimension_semantics = [#tpu.dimension_semantics<core_parallel>, #tpu.dimension_semantics<subcore_parallel>], iteration_bounds = array<i64: 2, 16>, scalar_prefetch = 0 : i64, scratch_operands = 7 : i64, tpu.core_type = #tpu.core_type<sc_vector_subcore>, window_params = [{transform_indices = #map}, {transform_indices = #map}, {transform_indices = #map}, {transform_indices = #map}]} {
    %broadcast_in_dim3A = arith.constant 0.000000e+00 : f32
    %broadcast_in_dim3A_0 = vector.broadcast %broadcast_in_dim3A : f32 to vector<16xf32>
    %iota3A = tpu.iota {dimensions = array<i32: 0>} : vector<16xi32>
    %eq3A = arith.constant 0 : i32
    %eq3A_1 = vector.broadcast %eq3A : i32 to vector<16xi32>
    %eq3A_2 = arith.cmpi eq, %iota3A, %eq3A_1 : vector<16xi32>
    %jit3A = arith.constant 1.000000e+00 : f32
    %jit3A_3 = arith.constant 0.000000e+00 : f32
    %broadcast_in_dim3A_4 = vector.broadcast %jit3A : f32 to vector<16xf32>
    %broadcast_in_dim3A_5 = vector.broadcast %jit3A_3 : f32 to vector<16xf32>
    %select_n3A = arith.select %eq3A_2, %broadcast_in_dim3A_4, %broadcast_in_dim3A_5 : vector<16xi1>, vector<16xf32>
    %scan3A = arith.constant 0 : i32
    %scan3A_6 = arith.constant 128 : i32
    %scan3A_7 = arith.addi %scan3A, %scan3A_6 : i32
    %scan3A_8 = arith.constant 1 : i32
    scf.for %scan3A_32 = %scan3A to %scan3A_7 step %scan3A_8  : i32 {
      %mul3A_33 = arith.constant 1 : i32
      %mul3A_34 = arith.muli %scan3A_32, %mul3A_33 : i32
      %add3A = arith.constant 0 : i32
      %add3A_35 = arith.addi %add3A, %mul3A_34 : i32
      %scan3A_36 = arith.constant 0 : i32
      %scan3A_37 = arith.constant 8 : i32
      %scan3A_38 = arith.addi %scan3A_36, %scan3A_37 : i32
      %scan3A_39 = arith.constant 1 : i32
      scf.for %scan3A_41 = %scan3A_36 to %scan3A_38 step %scan3A_39  : i32 {
        %mul3A_42 = arith.constant 16 : i32
        %mul3A_43 = arith.muli %scan3A_41, %mul3A_42 : i32
        %add3A_44 = arith.constant 0 : i32
        %add3A_45 = arith.addi %add3A_44, %mul3A_43 : i32
        %swap3A = arith.index_cast %add3A_35 : i32 to index
        %swap3A_46 = arith.index_cast %add3A_45 : i32 to index
        %swap3A_47 = tpu.vector_load %arg8[%swap3A, %swap3A_46] {strides = array<i32>} : memref<128x128xf32, #tpu.memory_space<vmem>>, vector<1x16xf32>,
        %swap3A_48 = vector.shape_cast %swap3A_47 : vector<1x16xf32> to vector<16xf32>
        %swap3A_49 = vector.shape_cast %broadcast_in_dim3A_0 : vector<16xf32> to vector<1x16xf32>
        tpu.vector_store %arg8[%swap3A, %swap3A_46], %swap3A_49 {strides = array<i32>} : memref<128x128xf32, #tpu.memory_space<vmem>>, vector<1x16xf32>,
      }
      %scan3A_40 = arith.constant 8 : i32
    }
    %scan3A_9 = arith.constant 128 : i32
    %mul3A = arith.constant 640 : i32
    %mul3A_10 = arith.muli %arg1, %mul3A : i32
    %scan3A_11 = arith.constant 0 : i32
    %scan3A_12 = arith.constant 5 : i32
    %scan3A_13 = arith.addi %scan3A_11, %scan3A_12 : i32
    %scan3A_14 = arith.constant 1 : i32
    scf.for %scan3A_32 = %scan3A_11 to %scan3A_13 step %scan3A_14  : i32 {
      %mul3A_33 = arith.constant 128 : i32
      %mul3A_34 = arith.muli %scan3A_32, %mul3A_33 : i32
      %add3A = arith.constant 0 : i32
      %add3A_35 = arith.addi %add3A, %mul3A_34 : i32
      %add3A_36 = arith.addi %mul3A_10, %add3A_35 : i32
      "tpu.region"() ({
        %run_scoped3A = tpu.sem_alloc : memref<!tpu.dma_semaphore, #tpu.memory_space<semaphore_mem>>
        %dma_start3A = arith.constant 0 : i32
        %dma_start3A_37 = tpu.memref_slice %arg10[%add3A_36, %dma_start3A] : memref<10240x128xf32, #tpu.memory_space<vmem_shared>> -> memref<128x128xf32, #tpu.memory_space<vmem_shared>>
        %dma_start3A_38 = arith.constant 0 : i32
        %dma_start3A_39 = tpu.memref_slice %arg10[%add3A_36, %dma_start3A_38] : memref<10240x128xf32, #tpu.memory_space<vmem_shared>> -> memref<128x128xf32, #tpu.memory_space<vmem_shared>>
        tpu.enqueue_dma source(%arg8 : memref<128x128xf32, #tpu.memory_space<vmem>>) target(%dma_start3A_39 : memref<128x128xf32, #tpu.memory_space<vmem_shared>>) target_semaphore(%run_scoped3A : memref<!tpu.dma_semaphore, #tpu.memory_space<semaphore_mem>>)
        %dma_wait3A = arith.constant 0 : i32
        %dma_wait3A_40 = tpu.memref_slice %arg10[%add3A_36, %dma_wait3A] : memref<10240x128xf32, #tpu.memory_space<vmem_shared>> -> memref<128x128xf32, #tpu.memory_space<vmem_shared>>
        %dma_wait3A_41 = arith.constant 0 : i32
        %dma_wait3A_42 = tpu.memref_slice %arg10[%add3A_36, %dma_wait3A_41] : memref<10240x128xf32, #tpu.memory_space<vmem_shared>> -> memref<128x128xf32, #tpu.memory_space<vmem_shared>>
        tpu.wait_dma2 semaphore(%run_scoped3A : memref<!tpu.dma_semaphore, #tpu.memory_space<semaphore_mem>>) src(%arg8 : memref<128x128xf32, #tpu.memory_space<vmem>>) dst(%dma_wait3A_42 : memref<128x128xf32, #tpu.memory_space<vmem_shared>>)
        tpu.yield
      }) : () -> ()
    }
    %scan3A_15 = arith.constant 5 : i32
    %barrier3A = arith.constant 0 : index
    tpu.barrier barrier_id(%barrier3A)
    %mul3A_16 = arith.constant 160 : i32
    %mul3A_17 = arith.muli %arg1, %mul3A_16 : i32
    %eq3A_18 = arith.constant 0 : i32
    %eq3A_19 = arith.cmpi eq, %arg0, %eq3A_18 : i32
    %convert_element_type3A = arith.extui %eq3A_19 : i1 to i32
    %cond3A = arith.constant 0 : i32
    %cond3A_20 = arith.cmpi ne, %convert_element_type3A, %cond3A : i32
    scf.if %cond3A_20 {
      %scan3A_32 = arith.constant 0 : i32
      %scan3A_33 = arith.constant 20 : i32
      %scan3A_34 = arith.addi %scan3A_32, %scan3A_33 : i32
      %scan3A_35 = arith.constant 1 : i32
      scf.for %scan3A_37 = %scan3A_32 to %scan3A_34 step %scan3A_35  : i32 {
        %mul3A_38 = arith.constant 8 : i32
        %mul3A_39 = arith.muli %scan3A_37, %mul3A_38 : i32
        %add3A = arith.constant 0 : i32
        %add3A_40 = arith.addi %add3A, %mul3A_39 : i32
        %add3A_41 = arith.addi %mul3A_17, %add3A_40 : i32
        "tpu.region"() ({
          %run_scoped3A = tpu.sem_alloc : memref<!tpu.dma_semaphore, #tpu.memory_space<semaphore_mem>>
          %dma_start3A_54 = arith.constant 0 : i32
          %dma_start3A_55 = tpu.memref_slice %arg3[%add3A_41, %dma_start3A_54] : memref<2560x128xi32, #tpu.memory_space<hbm>> -> memref<8x128xi32, #tpu.memory_space<hbm>>
          %dma_start3A_56 = arith.constant 0 : i32
          %dma_start3A_57 = tpu.memref_slice %arg3[%add3A_41, %dma_start3A_56] : memref<2560x128xi32, #tpu.memory_space<hbm>> -> memref<8x128xi32, #tpu.memory_space<hbm>>
          tpu.enqueue_dma source(%dma_start3A_57 : memref<8x128xi32, #tpu.memory_space<hbm>>) target(%arg6 : memref<8x128xi32, #tpu.memory_space<vmem>>) target_semaphore(%run_scoped3A : memref<!tpu.dma_semaphore, #tpu.memory_space<semaphore_mem>>)
          %dma_wait3A = arith.constant 0 : i32
          %dma_wait3A_58 = tpu.memref_slice %arg3[%add3A_41, %dma_wait3A] : memref<2560x128xi32, #tpu.memory_space<hbm>> -> memref<8x128xi32, #tpu.memory_space<hbm>>
          %dma_wait3A_59 = arith.constant 0 : i32
          %dma_wait3A_60 = tpu.memref_slice %arg3[%add3A_41, %dma_wait3A_59] : memref<2560x128xi32, #tpu.memory_space<hbm>> -> memref<8x128xi32, #tpu.memory_space<hbm>>
          tpu.wait_dma2 semaphore(%run_scoped3A : memref<!tpu.dma_semaphore, #tpu.memory_space<semaphore_mem>>) src(%dma_wait3A_60 : memref<8x128xi32, #tpu.memory_space<hbm>>) dst(%arg6 : memref<8x128xi32, #tpu.memory_space<vmem>>)
          tpu.yield
        }) : () -> ()
        %add3A_42 = arith.addi %mul3A_17, %add3A_40 : i32
        "tpu.region"() ({
          %run_scoped3A = tpu.sem_alloc : memref<!tpu.dma_semaphore, #tpu.memory_space<semaphore_mem>>
          %dma_start3A_54 = arith.constant 0 : i32
          %dma_start3A_55 = tpu.memref_slice %arg4[%add3A_42, %dma_start3A_54] : memref<2560x128xi32, #tpu.memory_space<hbm>> -> memref<8x128xi32, #tpu.memory_space<hbm>>
          %dma_start3A_56 = arith.constant 0 : i32
          %dma_start3A_57 = tpu.memref_slice %arg4[%add3A_42, %dma_start3A_56] : memref<2560x128xi32, #tpu.memory_space<hbm>> -> memref<8x128xi32, #tpu.memory_space<hbm>>
          tpu.enqueue_dma source(%dma_start3A_57 : memref<8x128xi32, #tpu.memory_space<hbm>>) target(%arg7 : memref<8x128xi32, #tpu.memory_space<vmem>>) target_semaphore(%run_scoped3A : memref<!tpu.dma_semaphore, #tpu.memory_space<semaphore_mem>>)
          %dma_wait3A = arith.constant 0 : i32
          %dma_wait3A_58 = tpu.memref_slice %arg4[%add3A_42, %dma_wait3A] : memref<2560x128xi32, #tpu.memory_space<hbm>> -> memref<8x128xi32, #tpu.memory_space<hbm>>
          %dma_wait3A_59 = arith.constant 0 : i32
          %dma_wait3A_60 = tpu.memref_slice %arg4[%add3A_42, %dma_wait3A_59] : memref<2560x128xi32, #tpu.memory_space<hbm>> -> memref<8x128xi32, #tpu.memory_space<hbm>>
          tpu.wait_dma2 semaphore(%run_scoped3A : memref<!tpu.dma_semaphore, #tpu.memory_space<semaphore_mem>>) src(%dma_wait3A_60 : memref<8x128xi32, #tpu.memory_space<hbm>>) dst(%arg7 : memref<8x128xi32, #tpu.memory_space<vmem>>)
          tpu.yield
        }) : () -> ()
        %dma_start3A = arith.constant 0 : i32
        %dma_start3A_43 = arith.constant 0 : i32
        %dma_start3A_44 = tpu.memref_slice %arg6[%dma_start3A, %dma_start3A_43] : memref<8x128xi32, #tpu.memory_space<vmem>> -> memref<1x128xi32, #tpu.memory_space<vmem>>
        %dma_start3A_45 = tpu.memref_squeeze %dma_start3A_44 : memref<1x128xi32, #tpu.memory_space<vmem>> -> memref<128xi32, #tpu.memory_space<vmem>>
        %dma_start3A_46 = arith.constant 0 : i32
        %dma_start3A_47 = arith.constant 0 : i32
        %dma_start3A_48 = tpu.memref_slice %arg2[%dma_start3A_46, %dma_start3A_47] : memref<10000x128xf32, #tpu.memory_space<hbm>> -> memref<10000x128xf32, #tpu.memory_space<hbm>>
        tpu.enqueue_indirect_dma source(%dma_start3A_48 : memref<10000x128xf32, #tpu.memory_space<hbm>>) target(%arg8 : memref<128x128xf32, #tpu.memory_space<vmem>>) offsets(%dma_start3A_45 : memref<128xi32, #tpu.memory_space<vmem>>) semaphore(%arg11 : memref<!tpu.dma_semaphore, #tpu.memory_space<semaphore_mem>>)
        %scan3A_49 = arith.constant 0 : i32
        %scan3A_50 = arith.constant 4 : i32
        %scan3A_51 = arith.addi %scan3A_49, %scan3A_50 : i32
        %scan3A_52 = arith.constant 1 : i32
        scf.for %scan3A_54 = %scan3A_49 to %scan3A_51 step %scan3A_52  : i32 {
          %mul3A_55 = arith.constant 2 : i32
          %mul3A_56 = arith.muli %scan3A_54, %mul3A_55 : i32
          %add3A_57 = arith.constant 0 : i32
          %add3A_58 = arith.addi %add3A_57, %mul3A_56 : i32
          %add3A_59 = arith.constant 1 : i32
          %add3A_60 = arith.addi %add3A_58, %add3A_59 : i32
          %dma_start3A_61 = arith.constant 0 : i32
          %dma_start3A_62 = tpu.memref_slice %arg6[%add3A_60, %dma_start3A_61] : memref<8x128xi32, #tpu.memory_space<vmem>> -> memref<1x128xi32, #tpu.memory_space<vmem>>
          %dma_start3A_63 = tpu.memref_squeeze %dma_start3A_62 : memref<1x128xi32, #tpu.memory_space<vmem>> -> memref<128xi32, #tpu.memory_space<vmem>>
          %dma_start3A_64 = arith.constant 0 : i32
          %dma_start3A_65 = arith.constant 0 : i32
          %dma_start3A_66 = tpu.memref_slice %arg2[%dma_start3A_64, %dma_start3A_65] : memref<10000x128xf32, #tpu.memory_space<hbm>> -> memref<10000x128xf32, #tpu.memory_space<hbm>>
          tpu.enqueue_indirect_dma source(%dma_start3A_66 : memref<10000x128xf32, #tpu.memory_space<hbm>>) target(%arg9 : memref<128x128xf32, #tpu.memory_space<vmem>>) offsets(%dma_start3A_63 : memref<128xi32, #tpu.memory_space<vmem>>) semaphore(%arg12 : memref<!tpu.dma_semaphore, #tpu.memory_space<semaphore_mem>>)
          %dma_wait3A = arith.constant 0 : i32
          %dma_wait3A_67 = tpu.memref_slice %arg6[%add3A_58, %dma_wait3A] : memref<8x128xi32, #tpu.memory_space<vmem>> -> memref<1x128xi32, #tpu.memory_space<vmem>>
          %dma_wait3A_68 = tpu.memref_squeeze %dma_wait3A_67 : memref<1x128xi32, #tpu.memory_space<vmem>> -> memref<128xi32, #tpu.memory_space<vmem>>
          %dma_wait3A_69 = arith.constant 0 : i32
          %dma_wait3A_70 = arith.constant 0 : i32
          %dma_wait3A_71 = tpu.memref_slice %arg2[%dma_wait3A_69, %dma_wait3A_70] : memref<10000x128xf32, #tpu.memory_space<hbm>> -> memref<10000x128xf32, #tpu.memory_space<hbm>>
          tpu.wait_indirect_dma semaphore(%arg11 : memref<!tpu.dma_semaphore, #tpu.memory_space<semaphore_mem>>) src(%dma_wait3A_71 : memref<10000x128xf32, #tpu.memory_space<hbm>>) dst(%arg8 : memref<128x128xf32, #tpu.memory_space<vmem>>)
          "tpu.region"() ({
            %run_scoped3A = tpu.sem_alloc : memref<!tpu.dma_semaphore, #tpu.memory_space<semaphore_mem>>
            %dma_start3A_88 = arith.constant 0 : i32
            %dma_start3A_89 = tpu.memref_slice %arg7[%add3A_58, %dma_start3A_88] : memref<8x128xi32, #tpu.memory_space<vmem>> -> memref<1x128xi32, #tpu.memory_space<vmem>>
            %dma_start3A_90 = tpu.memref_squeeze %dma_start3A_89 : memref<1x128xi32, #tpu.memory_space<vmem>> -> memref<128xi32, #tpu.memory_space<vmem>>
            %dma_start3A_91 = arith.constant 0 : i32
            %dma_start3A_92 = arith.constant 0 : i32
            %dma_start3A_93 = tpu.memref_slice %arg10[%dma_start3A_91, %dma_start3A_92] : memref<10240x128xf32, #tpu.memory_space<vmem_shared>> -> memref<10240x128xf32, #tpu.memory_space<vmem_shared>>
            tpu.enqueue_indirect_dma source(%arg8 : memref<128x128xf32, #tpu.memory_space<vmem>>) target(%dma_start3A_93 : memref<10240x128xf32, #tpu.memory_space<vmem_shared>>) offsets(%dma_start3A_90 : memref<128xi32, #tpu.memory_space<vmem>>) semaphore(%run_scoped3A : memref<!tpu.dma_semaphore, #tpu.memory_space<semaphore_mem>>) {add = true}
            %dma_wait3A_94 = arith.constant 0 : i32
            %dma_wait3A_95 = tpu.memref_slice %arg7[%add3A_58, %dma_wait3A_94] : memref<8x128xi32, #tpu.memory_space<vmem>> -> memref<1x128xi32, #tpu.memory_space<vmem>>
            %dma_wait3A_96 = tpu.memref_squeeze %dma_wait3A_95 : memref<1x128xi32, #tpu.memory_space<vmem>> -> memref<128xi32, #tpu.memory_space<vmem>>
            %dma_wait3A_97 = arith.constant 0 : i32
            %dma_wait3A_98 = arith.constant 0 : i32
            %dma_wait3A_99 = tpu.memref_slice %arg10[%dma_wait3A_97, %dma_wait3A_98] : memref<10240x128xf32, #tpu.memory_space<vmem_shared>> -> memref<10240x128xf32, #tpu.memory_space<vmem_shared>>
            tpu.wait_indirect_dma semaphore(%run_scoped3A : memref<!tpu.dma_semaphore, #tpu.memory_space<semaphore_mem>>) src(%arg8 : memref<128x128xf32, #tpu.memory_space<vmem>>) dst(%dma_wait3A_99 : memref<10240x128xf32, #tpu.memory_space<vmem_shared>>)
            tpu.yield
          }) : () -> ()
          %add3A_72 = arith.constant 2 : i32
          %add3A_73 = arith.addi %add3A_58, %add3A_72 : i32
          %lt3A = arith.constant 8 : i32
          %lt3A_74 = arith.cmpi slt, %add3A_73, %lt3A : i32
          %convert_element_type3A_75 = arith.extui %lt3A_74 : i1 to i32
          %cond3A_76 = arith.constant 0 : i32
          %cond3A_77 = arith.cmpi ne, %convert_element_type3A_75, %cond3A_76 : i32
          scf.if %cond3A_77 {
            %add3A_88 = arith.constant 2 : i32
            %add3A_89 = arith.addi %add3A_58, %add3A_88 : i32
            %dma_start3A_90 = arith.constant 0 : i32
            %dma_start3A_91 = tpu.memref_slice %arg6[%add3A_89, %dma_start3A_90] : memref<8x128xi32, #tpu.memory_space<vmem>> -> memref<1x128xi32, #tpu.memory_space<vmem>>
            %dma_start3A_92 = tpu.memref_squeeze %dma_start3A_91 : memref<1x128xi32, #tpu.memory_space<vmem>> -> memref<128xi32, #tpu.memory_space<vmem>>
            %dma_start3A_93 = arith.constant 0 : i32
            %dma_start3A_94 = arith.constant 0 : i32
            %dma_start3A_95 = tpu.memref_slice %arg2[%dma_start3A_93, %dma_start3A_94] : memref<10000x128xf32, #tpu.memory_space<hbm>> -> memref<10000x128xf32, #tpu.memory_space<hbm>>
            tpu.enqueue_indirect_dma source(%dma_start3A_95 : memref<10000x128xf32, #tpu.memory_space<hbm>>) target(%arg8 : memref<128x128xf32, #tpu.memory_space<vmem>>) offsets(%dma_start3A_92 : memref<128xi32, #tpu.memory_space<vmem>>) semaphore(%arg11 : memref<!tpu.dma_semaphore, #tpu.memory_space<semaphore_mem>>)
          } else {
          }
          %add3A_78 = arith.constant 1 : i32
          %add3A_79 = arith.addi %add3A_58, %add3A_78 : i32
          %dma_wait3A_80 = arith.constant 0 : i32
          %dma_wait3A_81 = tpu.memref_slice %arg6[%add3A_79, %dma_wait3A_80] : memref<8x128xi32, #tpu.memory_space<vmem>> -> memref<1x128xi32, #tpu.memory_space<vmem>>
          %dma_wait3A_82 = tpu.memref_squeeze %dma_wait3A_81 : memref<1x128xi32, #tpu.memory_space<vmem>> -> memref<128xi32, #tpu.memory_space<vmem>>
          %dma_wait3A_83 = arith.constant 0 : i32
          %dma_wait3A_84 = arith.constant 0 : i32
          %dma_wait3A_85 = tpu.memref_slice %arg2[%dma_wait3A_83, %dma_wait3A_84] : memref<10000x128xf32, #tpu.memory_space<hbm>> -> memref<10000x128xf32, #tpu.memory_space<hbm>>
          tpu.wait_indirect_dma semaphore(%arg12 : memref<!tpu.dma_semaphore, #tpu.memory_space<semaphore_mem>>) src(%dma_wait3A_85 : memref<10000x128xf32, #tpu.memory_space<hbm>>) dst(%arg9 : memref<128x128xf32, #tpu.memory_space<vmem>>)
          %add3A_86 = arith.constant 1 : i32
          %add3A_87 = arith.addi %add3A_58, %add3A_86 : i32
          "tpu.region"() ({
            %run_scoped3A = tpu.sem_alloc : memref<!tpu.dma_semaphore, #tpu.memory_space<semaphore_mem>>
            %dma_start3A_88 = arith.constant 0 : i32
            %dma_start3A_89 = tpu.memref_slice %arg7[%add3A_87, %dma_start3A_88] : memref<8x128xi32, #tpu.memory_space<vmem>> -> memref<1x128xi32, #tpu.memory_space<vmem>>
            %dma_start3A_90 = tpu.memref_squeeze %dma_start3A_89 : memref<1x128xi32, #tpu.memory_space<vmem>> -> memref<128xi32, #tpu.memory_space<vmem>>
            %dma_start3A_91 = arith.constant 0 : i32
            %dma_start3A_92 = arith.constant 0 : i32
            %dma_start3A_93 = tpu.memref_slice %arg10[%dma_start3A_91, %dma_start3A_92] : memref<10240x128xf32, #tpu.memory_space<vmem_shared>> -> memref<10240x128xf32, #tpu.memory_space<vmem_shared>>
            tpu.enqueue_indirect_dma source(%arg9 : memref<128x128xf32, #tpu.memory_space<vmem>>) target(%dma_start3A_93 : memref<10240x128xf32, #tpu.memory_space<vmem_shared>>) offsets(%dma_start3A_90 : memref<128xi32, #tpu.memory_space<vmem>>) semaphore(%run_scoped3A : memref<!tpu.dma_semaphore, #tpu.memory_space<semaphore_mem>>) {add = true}
            %dma_wait3A_94 = arith.constant 0 : i32
            %dma_wait3A_95 = tpu.memref_slice %arg7[%add3A_87, %dma_wait3A_94] : memref<8x128xi32, #tpu.memory_space<vmem>> -> memref<1x128xi32, #tpu.memory_space<vmem>>
            %dma_wait3A_96 = tpu.memref_squeeze %dma_wait3A_95 : memref<1x128xi32, #tpu.memory_space<vmem>> -> memref<128xi32, #tpu.memory_space<vmem>>
            %dma_wait3A_97 = arith.constant 0 : i32
            %dma_wait3A_98 = arith.constant 0 : i32
            %dma_wait3A_99 = tpu.memref_slice %arg10[%dma_wait3A_97, %dma_wait3A_98] : memref<10240x128xf32, #tpu.memory_space<vmem_shared>> -> memref<10240x128xf32, #tpu.memory_space<vmem_shared>>
            tpu.wait_indirect_dma semaphore(%run_scoped3A : memref<!tpu.dma_semaphore, #tpu.memory_space<semaphore_mem>>) src(%arg9 : memref<128x128xf32, #tpu.memory_space<vmem>>) dst(%dma_wait3A_99 : memref<10240x128xf32, #tpu.memory_space<vmem_shared>>)
            tpu.yield
          }) : () -> ()
        }
        %scan3A_53 = arith.constant 4 : i32
      }
      %scan3A_36 = arith.constant 20 : i32
    } else {
    }
    %eq3A_21 = arith.constant 1 : i32
    %eq3A_22 = arith.cmpi eq, %arg0, %eq3A_21 : i32
    %convert_element_type3A_23 = arith.extui %eq3A_22 : i1 to i32
    %cond3A_24 = arith.constant 0 : i32
    %cond3A_25 = arith.cmpi ne, %convert_element_type3A_23, %cond3A_24 : i32
    scf.if %cond3A_25 {
      %scan3A_32 = arith.constant 0 : i32
      %scan3A_33 = arith.constant 128 : i32
      %scan3A_34 = arith.addi %scan3A_32, %scan3A_33 : i32
      %scan3A_35 = arith.constant 1 : i32
      scf.for %scan3A_42 = %scan3A_32 to %scan3A_34 step %scan3A_35  : i32 {
        %mul3A_43 = arith.constant 1 : i32
        %mul3A_44 = arith.muli %scan3A_42, %mul3A_43 : i32
        %add3A = arith.constant 0 : i32
        %add3A_45 = arith.addi %add3A, %mul3A_44 : i32
        %swap3A = arith.index_cast %add3A_45 : i32 to index
        %swap3A_46 = arith.constant 0 : index
        %swap3A_47 = tpu.vector_load %arg8[%swap3A, %swap3A_46] {strides = array<i32>} : memref<128x128xf32, #tpu.memory_space<vmem>>, vector<1x16xf32>,
        %swap3A_48 = vector.shape_cast %swap3A_47 : vector<1x16xf32> to vector<16xf32>
        %swap3A_49 = vector.shape_cast %select_n3A : vector<16xf32> to vector<1x16xf32>
        tpu.vector_store %arg8[%swap3A, %swap3A_46], %swap3A_49 {strides = array<i32>} : memref<128x128xf32, #tpu.memory_space<vmem>>, vector<1x16xf32>,
      }
      %scan3A_36 = arith.constant 128 : i32
      %scan3A_37 = arith.constant 0 : i32
      %scan3A_38 = arith.constant 20 : i32
      %scan3A_39 = arith.addi %scan3A_37, %scan3A_38 : i32
      %scan3A_40 = arith.constant 1 : i32
      scf.for %scan3A_42 = %scan3A_37 to %scan3A_39 step %scan3A_40  : i32 {
        %mul3A_43 = arith.constant 8 : i32
        %mul3A_44 = arith.muli %scan3A_42, %mul3A_43 : i32
        %add3A = arith.constant 0 : i32
        %add3A_45 = arith.addi %add3A, %mul3A_44 : i32
        %add3A_46 = arith.addi %mul3A_17, %add3A_45 : i32
        "tpu.region"() ({
          %run_scoped3A = tpu.sem_alloc : memref<!tpu.dma_semaphore, #tpu.memory_space<semaphore_mem>>
          %dma_start3A = arith.constant 0 : i32
          %dma_start3A_52 = tpu.memref_slice %arg4[%add3A_46, %dma_start3A] : memref<2560x128xi32, #tpu.memory_space<hbm>> -> memref<8x128xi32, #tpu.memory_space<hbm>>
          %dma_start3A_53 = arith.constant 0 : i32
          %dma_start3A_54 = tpu.memref_slice %arg4[%add3A_46, %dma_start3A_53] : memref<2560x128xi32, #tpu.memory_space<hbm>> -> memref<8x128xi32, #tpu.memory_space<hbm>>
          tpu.enqueue_dma source(%dma_start3A_54 : memref<8x128xi32, #tpu.memory_space<hbm>>) target(%arg7 : memref<8x128xi32, #tpu.memory_space<vmem>>) target_semaphore(%run_scoped3A : memref<!tpu.dma_semaphore, #tpu.memory_space<semaphore_mem>>)
          %dma_wait3A = arith.constant 0 : i32
          %dma_wait3A_55 = tpu.memref_slice %arg4[%add3A_46, %dma_wait3A] : memref<2560x128xi32, #tpu.memory_space<hbm>> -> memref<8x128xi32, #tpu.memory_space<hbm>>
          %dma_wait3A_56 = arith.constant 0 : i32
          %dma_wait3A_57 = tpu.memref_slice %arg4[%add3A_46, %dma_wait3A_56] : memref<2560x128xi32, #tpu.memory_space<hbm>> -> memref<8x128xi32, #tpu.memory_space<hbm>>
          tpu.wait_dma2 semaphore(%run_scoped3A : memref<!tpu.dma_semaphore, #tpu.memory_space<semaphore_mem>>) src(%dma_wait3A_57 : memref<8x128xi32, #tpu.memory_space<hbm>>) dst(%arg7 : memref<8x128xi32, #tpu.memory_space<vmem>>)
          tpu.yield
        }) : () -> ()
        %scan3A_47 = arith.constant 0 : i32
        %scan3A_48 = arith.constant 8 : i32
        %scan3A_49 = arith.addi %scan3A_47, %scan3A_48 : i32
        %scan3A_50 = arith.constant 1 : i32
        scf.for %scan3A_52 = %scan3A_47 to %scan3A_49 step %scan3A_50  : i32 {
          %mul3A_53 = arith.constant 1 : i32
          %mul3A_54 = arith.muli %scan3A_52, %mul3A_53 : i32
          %add3A_55 = arith.constant 0 : i32
          %add3A_56 = arith.addi %add3A_55, %mul3A_54 : i32
          "tpu.region"() ({
            %run_scoped3A = tpu.sem_alloc : memref<!tpu.dma_semaphore, #tpu.memory_space<semaphore_mem>>
            %dma_start3A = arith.constant 0 : i32
            %dma_start3A_57 = tpu.memref_slice %arg7[%add3A_56, %dma_start3A] : memref<8x128xi32, #tpu.memory_space<vmem>> -> memref<1x128xi32, #tpu.memory_space<vmem>>
            %dma_start3A_58 = tpu.memref_squeeze %dma_start3A_57 : memref<1x128xi32, #tpu.memory_space<vmem>> -> memref<128xi32, #tpu.memory_space<vmem>>
            %dma_start3A_59 = arith.constant 0 : i32
            %dma_start3A_60 = arith.constant 0 : i32
            %dma_start3A_61 = tpu.memref_slice %arg10[%dma_start3A_59, %dma_start3A_60] : memref<10240x128xf32, #tpu.memory_space<vmem_shared>> -> memref<10240x128xf32, #tpu.memory_space<vmem_shared>>
            tpu.enqueue_indirect_dma source(%arg8 : memref<128x128xf32, #tpu.memory_space<vmem>>) target(%dma_start3A_61 : memref<10240x128xf32, #tpu.memory_space<vmem_shared>>) offsets(%dma_start3A_58 : memref<128xi32, #tpu.memory_space<vmem>>) semaphore(%run_scoped3A : memref<!tpu.dma_semaphore, #tpu.memory_space<semaphore_mem>>) {add = true}
            %dma_wait3A = arith.constant 0 : i32
            %dma_wait3A_62 = tpu.memref_slice %arg7[%add3A_56, %dma_wait3A] : memref<8x128xi32, #tpu.memory_space<vmem>> -> memref<1x128xi32, #tpu.memory_space<vmem>>
            %dma_wait3A_63 = tpu.memref_squeeze %dma_wait3A_62 : memref<1x128xi32, #tpu.memory_space<vmem>> -> memref<128xi32, #tpu.memory_space<vmem>>
            %dma_wait3A_64 = arith.constant 0 : i32
            %dma_wait3A_65 = arith.constant 0 : i32
            %dma_wait3A_66 = tpu.memref_slice %arg10[%dma_wait3A_64, %dma_wait3A_65] : memref<10240x128xf32, #tpu.memory_space<vmem_shared>> -> memref<10240x128xf32, #tpu.memory_space<vmem_shared>>
            tpu.wait_indirect_dma semaphore(%run_scoped3A : memref<!tpu.dma_semaphore, #tpu.memory_space<semaphore_mem>>) src(%arg8 : memref<128x128xf32, #tpu.memory_space<vmem>>) dst(%dma_wait3A_66 : memref<10240x128xf32, #tpu.memory_space<vmem_shared>>)
            tpu.yield
          }) : () -> ()
        }
        %scan3A_51 = arith.constant 8 : i32
      }
      %scan3A_41 = arith.constant 20 : i32
    } else {
    }
    %barrier3A_26 = arith.constant 0 : index
    tpu.barrier barrier_id(%barrier3A_26)
    %scan3A_27 = arith.constant 0 : i32
    %scan3A_28 = arith.constant 5 : i32
    %scan3A_29 = arith.addi %scan3A_27, %scan3A_28 : i32
    %scan3A_30 = arith.constant 1 : i32
    scf.for %scan3A_32 = %scan3A_27 to %scan3A_29 step %scan3A_30  : i32 {
      %mul3A_33 = arith.constant 128 : i32
      %mul3A_34 = arith.muli %scan3A_32, %mul3A_33 : i32
      %add3A = arith.constant 0 : i32
      %add3A_35 = arith.addi %add3A, %mul3A_34 : i32
      %add3A_36 = arith.addi %mul3A_10, %add3A_35 : i32
      %mul3A_37 = arith.constant 10240 : i32
      %mul3A_38 = arith.muli %arg0, %mul3A_37 : i32
      %add3A_39 = arith.addi %mul3A_38, %mul3A_10 : i32
      %add3A_40 = arith.addi %add3A_39, %add3A_35 : i32
      "tpu.region"() ({
        %run_scoped3A = tpu.sem_alloc : memref<!tpu.dma_semaphore, #tpu.memory_space<semaphore_mem>>
        %dma_start3A = arith.constant 0 : i32
        %dma_start3A_41 = tpu.memref_slice %arg5[%add3A_40, %dma_start3A] : memref<20480x128xf32, #tpu.memory_space<hbm>> -> memref<128x128xf32, #tpu.memory_space<hbm>>
        %dma_start3A_42 = arith.constant 0 : i32
        %dma_start3A_43 = tpu.memref_slice %arg10[%add3A_36, %dma_start3A_42] : memref<10240x128xf32, #tpu.memory_space<vmem_shared>> -> memref<128x128xf32, #tpu.memory_space<vmem_shared>>
        tpu.enqueue_dma source(%dma_start3A_43 : memref<128x128xf32, #tpu.memory_space<vmem_shared>>) target(%dma_start3A_41 : memref<128x128xf32, #tpu.memory_space<hbm>>) target_semaphore(%run_scoped3A : memref<!tpu.dma_semaphore, #tpu.memory_space<semaphore_mem>>)
        %dma_wait3A = arith.constant 0 : i32
        %dma_wait3A_44 = tpu.memref_slice %arg5[%add3A_40, %dma_wait3A] : memref<20480x128xf32, #tpu.memory_space<hbm>> -> memref<128x128xf32, #tpu.memory_space<hbm>>
        %dma_wait3A_45 = arith.constant 0 : i32
        %dma_wait3A_46 = tpu.memref_slice %arg10[%add3A_36, %dma_wait3A_45] : memref<10240x128xf32, #tpu.memory_space<vmem_shared>> -> memref<128x128xf32, #tpu.memory_space<vmem_shared>>
        tpu.wait_dma2 semaphore(%run_scoped3A : memref<!tpu.dma_semaphore, #tpu.memory_space<semaphore_mem>>) src(%dma_wait3A_46 : memref<128x128xf32, #tpu.memory_space<vmem_shared>>) dst(%dma_wait3A_44 : memref<128x128xf32, #tpu.memory_space<hbm>>)
        tpu.yield
      }) : () -> ()
    }
    %scan3A_31 = arith.constant 5 : i32
    return
  }
}

#map = affine_map<(d0, d1) -> (0, 0)>
module attributes {stable_mosaic.version = 14 : i64} {
  func.func @body(%arg0: i32, %arg1: i32, %arg2: memref<10000x128xf32, #tpu.memory_space<hbm>>, %arg3: memref<2560x128xi32, #tpu.memory_space<hbm>>, %arg4: memref<2560x128xi32, #tpu.memory_space<hbm>>, %arg5: memref<20480x128xf32, #tpu.memory_space<hbm>>, %arg6: memref<8x128xi32, #tpu.memory_space<vmem>>, %arg7: memref<8x128xi32, #tpu.memory_space<vmem>>, %arg8: memref<128x128xf32, #tpu.memory_space<vmem>>, %arg9: memref<128x128xf32, #tpu.memory_space<vmem>>, %arg10: memref<10240x128xf32, #tpu.memory_space<vmem_shared>>, %arg11: memref<!tpu.dma_semaphore, #tpu.memory_space<semaphore_mem>>, %arg12: memref<!tpu.dma_semaphore, #tpu.memory_space<semaphore_mem>>) attributes {dimension_semantics = [#tpu.dimension_semantics<core_parallel>, #tpu.dimension_semantics<subcore_parallel>], iteration_bounds = array<i64: 2, 16>, scalar_prefetch = 0 : i64, scratch_operands = 7 : i64, tpu.core_type = #tpu.core_type<sc_vector_subcore>, window_params = [{transform_indices = #map}, {transform_indices = #map}, {transform_indices = #map}, {transform_indices = #map}]} {
    %broadcast_in_dim3A = arith.constant 0.000000e+00 : f32
    %broadcast_in_dim3A_0 = vector.broadcast %broadcast_in_dim3A : f32 to vector<16xf32>
    %iota3A = tpu.iota {dimensions = array<i32: 0>} : vector<16xi32>
    %eq3A = arith.constant 0 : i32
    %eq3A_1 = vector.broadcast %eq3A : i32 to vector<16xi32>
    %eq3A_2 = arith.cmpi eq, %iota3A, %eq3A_1 : vector<16xi32>
    %jit3A = arith.constant 1.000000e+00 : f32
    %jit3A_3 = arith.constant 0.000000e+00 : f32
    %broadcast_in_dim3A_4 = vector.broadcast %jit3A : f32 to vector<16xf32>
    %broadcast_in_dim3A_5 = vector.broadcast %jit3A_3 : f32 to vector<16xf32>
    %select_n3A = arith.select %eq3A_2, %broadcast_in_dim3A_4, %broadcast_in_dim3A_5 : vector<16xi1>, vector<16xf32>
    %scan3A = arith.constant 0 : i32
    %scan3A_6 = arith.constant 128 : i32
    %scan3A_7 = arith.addi %scan3A, %scan3A_6 : i32
    %scan3A_8 = arith.constant 1 : i32
    scf.for %scan3A_31 = %scan3A to %scan3A_7 step %scan3A_8  : i32 {
      %mul3A_32 = arith.constant 1 : i32
      %mul3A_33 = arith.muli %scan3A_31, %mul3A_32 : i32
      %add3A_34 = arith.constant 0 : i32
      %add3A_35 = arith.addi %add3A_34, %mul3A_33 : i32
      %scan3A_36 = arith.constant 0 : i32
      %scan3A_37 = arith.constant 8 : i32
      %scan3A_38 = arith.addi %scan3A_36, %scan3A_37 : i32
      %scan3A_39 = arith.constant 1 : i32
      scf.for %scan3A_41 = %scan3A_36 to %scan3A_38 step %scan3A_39  : i32 {
        %mul3A_42 = arith.constant 16 : i32
        %mul3A_43 = arith.muli %scan3A_41, %mul3A_42 : i32
        %add3A_44 = arith.constant 0 : i32
        %add3A_45 = arith.addi %add3A_44, %mul3A_43 : i32
        %swap3A = arith.index_cast %add3A_35 : i32 to index
        %swap3A_46 = arith.index_cast %add3A_45 : i32 to index
        %swap3A_47 = tpu.vector_load %arg8[%swap3A, %swap3A_46] {strides = array<i32>} : memref<128x128xf32, #tpu.memory_space<vmem>>, vector<1x16xf32>,
        %swap3A_48 = vector.shape_cast %swap3A_47 : vector<1x16xf32> to vector<16xf32>
        %swap3A_49 = vector.shape_cast %broadcast_in_dim3A_0 : vector<16xf32> to vector<1x16xf32>
        tpu.vector_store %arg8[%swap3A, %swap3A_46], %swap3A_49 {strides = array<i32>} : memref<128x128xf32, #tpu.memory_space<vmem>>, vector<1x16xf32>,
      }
      %scan3A_40 = arith.constant 8 : i32
    }
    %scan3A_9 = arith.constant 128 : i32
    %mul3A = arith.constant 640 : i32
    %mul3A_10 = arith.muli %arg1, %mul3A : i32
    %scan3A_11 = arith.constant 0 : i32
    %scan3A_12 = arith.constant 5 : i32
    %scan3A_13 = arith.addi %scan3A_11, %scan3A_12 : i32
    %scan3A_14 = arith.constant 1 : i32
    scf.for %scan3A_31 = %scan3A_11 to %scan3A_13 step %scan3A_14  : i32 {
      %mul3A_32 = arith.constant 128 : i32
      %mul3A_33 = arith.muli %scan3A_31, %mul3A_32 : i32
      %add3A_34 = arith.constant 0 : i32
      %add3A_35 = arith.addi %add3A_34, %mul3A_33 : i32
      %add3A_36 = arith.addi %mul3A_10, %add3A_35 : i32
      "tpu.region"() ({
        %run_scoped3A = tpu.sem_alloc : memref<!tpu.dma_semaphore, #tpu.memory_space<semaphore_mem>>
        %dma_start3A = arith.constant 0 : i32
        %dma_start3A_37 = tpu.memref_slice %arg10[%add3A_36, %dma_start3A] : memref<10240x128xf32, #tpu.memory_space<vmem_shared>> -> memref<128x128xf32, #tpu.memory_space<vmem_shared>>
        %dma_start3A_38 = arith.constant 0 : i32
        %dma_start3A_39 = tpu.memref_slice %arg10[%add3A_36, %dma_start3A_38] : memref<10240x128xf32, #tpu.memory_space<vmem_shared>> -> memref<128x128xf32, #tpu.memory_space<vmem_shared>>
        tpu.enqueue_dma source(%arg8 : memref<128x128xf32, #tpu.memory_space<vmem>>) target(%dma_start3A_39 : memref<128x128xf32, #tpu.memory_space<vmem_shared>>) target_semaphore(%run_scoped3A : memref<!tpu.dma_semaphore, #tpu.memory_space<semaphore_mem>>)
        %dma_wait3A = arith.constant 0 : i32
        %dma_wait3A_40 = tpu.memref_slice %arg10[%add3A_36, %dma_wait3A] : memref<10240x128xf32, #tpu.memory_space<vmem_shared>> -> memref<128x128xf32, #tpu.memory_space<vmem_shared>>
        %dma_wait3A_41 = arith.constant 0 : i32
        %dma_wait3A_42 = tpu.memref_slice %arg10[%add3A_36, %dma_wait3A_41] : memref<10240x128xf32, #tpu.memory_space<vmem_shared>> -> memref<128x128xf32, #tpu.memory_space<vmem_shared>>
        tpu.wait_dma2 semaphore(%run_scoped3A : memref<!tpu.dma_semaphore, #tpu.memory_space<semaphore_mem>>) src(%arg8 : memref<128x128xf32, #tpu.memory_space<vmem>>) dst(%dma_wait3A_42 : memref<128x128xf32, #tpu.memory_space<vmem_shared>>)
        tpu.yield
      }) : () -> ()
    }
    %scan3A_15 = arith.constant 5 : i32
    %barrier3A = arith.constant 0 : index
    tpu.barrier barrier_id(%barrier3A)
    %mul3A_16 = arith.constant 2 : i32
    %mul3A_17 = arith.muli %arg1, %mul3A_16 : i32
    %add3A = arith.addi %mul3A_17, %arg0 : i32
    %mul3A_18 = arith.constant 80 : i32
    %mul3A_19 = arith.muli %add3A, %mul3A_18 : i32
    %scan3A_20 = arith.constant 0 : i32
    %scan3A_21 = arith.constant 10 : i32
    %scan3A_22 = arith.addi %scan3A_20, %scan3A_21 : i32
    %scan3A_23 = arith.constant 1 : i32
    scf.for %scan3A_31 = %scan3A_20 to %scan3A_22 step %scan3A_23  : i32 {
      %mul3A_32 = arith.constant 8 : i32
      %mul3A_33 = arith.muli %scan3A_31, %mul3A_32 : i32
      %add3A_34 = arith.constant 0 : i32
      %add3A_35 = arith.addi %add3A_34, %mul3A_33 : i32
      %add3A_36 = arith.addi %mul3A_19, %add3A_35 : i32
      "tpu.region"() ({
        %run_scoped3A = tpu.sem_alloc : memref<!tpu.dma_semaphore, #tpu.memory_space<semaphore_mem>>
        %dma_start3A_49 = arith.constant 0 : i32
        %dma_start3A_50 = tpu.memref_slice %arg3[%add3A_36, %dma_start3A_49] : memref<2560x128xi32, #tpu.memory_space<hbm>> -> memref<8x128xi32, #tpu.memory_space<hbm>>
        %dma_start3A_51 = arith.constant 0 : i32
        %dma_start3A_52 = tpu.memref_slice %arg3[%add3A_36, %dma_start3A_51] : memref<2560x128xi32, #tpu.memory_space<hbm>> -> memref<8x128xi32, #tpu.memory_space<hbm>>
        tpu.enqueue_dma source(%dma_start3A_52 : memref<8x128xi32, #tpu.memory_space<hbm>>) target(%arg6 : memref<8x128xi32, #tpu.memory_space<vmem>>) target_semaphore(%run_scoped3A : memref<!tpu.dma_semaphore, #tpu.memory_space<semaphore_mem>>)
        %dma_wait3A = arith.constant 0 : i32
        %dma_wait3A_53 = tpu.memref_slice %arg3[%add3A_36, %dma_wait3A] : memref<2560x128xi32, #tpu.memory_space<hbm>> -> memref<8x128xi32, #tpu.memory_space<hbm>>
        %dma_wait3A_54 = arith.constant 0 : i32
        %dma_wait3A_55 = tpu.memref_slice %arg3[%add3A_36, %dma_wait3A_54] : memref<2560x128xi32, #tpu.memory_space<hbm>> -> memref<8x128xi32, #tpu.memory_space<hbm>>
        tpu.wait_dma2 semaphore(%run_scoped3A : memref<!tpu.dma_semaphore, #tpu.memory_space<semaphore_mem>>) src(%dma_wait3A_55 : memref<8x128xi32, #tpu.memory_space<hbm>>) dst(%arg6 : memref<8x128xi32, #tpu.memory_space<vmem>>)
        tpu.yield
      }) : () -> ()
      %add3A_37 = arith.addi %mul3A_19, %add3A_35 : i32
      "tpu.region"() ({
        %run_scoped3A = tpu.sem_alloc : memref<!tpu.dma_semaphore, #tpu.memory_space<semaphore_mem>>
        %dma_start3A_49 = arith.constant 0 : i32
        %dma_start3A_50 = tpu.memref_slice %arg4[%add3A_37, %dma_start3A_49] : memref<2560x128xi32, #tpu.memory_space<hbm>> -> memref<8x128xi32, #tpu.memory_space<hbm>>
        %dma_start3A_51 = arith.constant 0 : i32
        %dma_start3A_52 = tpu.memref_slice %arg4[%add3A_37, %dma_start3A_51] : memref<2560x128xi32, #tpu.memory_space<hbm>> -> memref<8x128xi32, #tpu.memory_space<hbm>>
        tpu.enqueue_dma source(%dma_start3A_52 : memref<8x128xi32, #tpu.memory_space<hbm>>) target(%arg7 : memref<8x128xi32, #tpu.memory_space<vmem>>) target_semaphore(%run_scoped3A : memref<!tpu.dma_semaphore, #tpu.memory_space<semaphore_mem>>)
        %dma_wait3A = arith.constant 0 : i32
        %dma_wait3A_53 = tpu.memref_slice %arg4[%add3A_37, %dma_wait3A] : memref<2560x128xi32, #tpu.memory_space<hbm>> -> memref<8x128xi32, #tpu.memory_space<hbm>>
        %dma_wait3A_54 = arith.constant 0 : i32
        %dma_wait3A_55 = tpu.memref_slice %arg4[%add3A_37, %dma_wait3A_54] : memref<2560x128xi32, #tpu.memory_space<hbm>> -> memref<8x128xi32, #tpu.memory_space<hbm>>
        tpu.wait_dma2 semaphore(%run_scoped3A : memref<!tpu.dma_semaphore, #tpu.memory_space<semaphore_mem>>) src(%dma_wait3A_55 : memref<8x128xi32, #tpu.memory_space<hbm>>) dst(%arg7 : memref<8x128xi32, #tpu.memory_space<vmem>>)
        tpu.yield
      }) : () -> ()
      %dma_start3A = arith.constant 0 : i32
      %dma_start3A_38 = arith.constant 0 : i32
      %dma_start3A_39 = tpu.memref_slice %arg6[%dma_start3A, %dma_start3A_38] : memref<8x128xi32, #tpu.memory_space<vmem>> -> memref<1x128xi32, #tpu.memory_space<vmem>>
      %dma_start3A_40 = tpu.memref_squeeze %dma_start3A_39 : memref<1x128xi32, #tpu.memory_space<vmem>> -> memref<128xi32, #tpu.memory_space<vmem>>
      %dma_start3A_41 = arith.constant 0 : i32
      %dma_start3A_42 = arith.constant 0 : i32
      %dma_start3A_43 = tpu.memref_slice %arg2[%dma_start3A_41, %dma_start3A_42] : memref<10000x128xf32, #tpu.memory_space<hbm>> -> memref<10000x128xf32, #tpu.memory_space<hbm>>
      tpu.enqueue_indirect_dma source(%dma_start3A_43 : memref<10000x128xf32, #tpu.memory_space<hbm>>) target(%arg8 : memref<128x128xf32, #tpu.memory_space<vmem>>) offsets(%dma_start3A_40 : memref<128xi32, #tpu.memory_space<vmem>>) semaphore(%arg11 : memref<!tpu.dma_semaphore, #tpu.memory_space<semaphore_mem>>)
      %scan3A_44 = arith.constant 0 : i32
      %scan3A_45 = arith.constant 4 : i32
      %scan3A_46 = arith.addi %scan3A_44, %scan3A_45 : i32
      %scan3A_47 = arith.constant 1 : i32
      scf.for %scan3A_49 = %scan3A_44 to %scan3A_46 step %scan3A_47  : i32 {
        %mul3A_50 = arith.constant 2 : i32
        %mul3A_51 = arith.muli %scan3A_49, %mul3A_50 : i32
        %add3A_52 = arith.constant 0 : i32
        %add3A_53 = arith.addi %add3A_52, %mul3A_51 : i32
        %add3A_54 = arith.constant 1 : i32
        %add3A_55 = arith.addi %add3A_53, %add3A_54 : i32
        %dma_start3A_56 = arith.constant 0 : i32
        %dma_start3A_57 = tpu.memref_slice %arg6[%add3A_55, %dma_start3A_56] : memref<8x128xi32, #tpu.memory_space<vmem>> -> memref<1x128xi32, #tpu.memory_space<vmem>>
        %dma_start3A_58 = tpu.memref_squeeze %dma_start3A_57 : memref<1x128xi32, #tpu.memory_space<vmem>> -> memref<128xi32, #tpu.memory_space<vmem>>
        %dma_start3A_59 = arith.constant 0 : i32
        %dma_start3A_60 = arith.constant 0 : i32
        %dma_start3A_61 = tpu.memref_slice %arg2[%dma_start3A_59, %dma_start3A_60] : memref<10000x128xf32, #tpu.memory_space<hbm>> -> memref<10000x128xf32, #tpu.memory_space<hbm>>
        tpu.enqueue_indirect_dma source(%dma_start3A_61 : memref<10000x128xf32, #tpu.memory_space<hbm>>) target(%arg9 : memref<128x128xf32, #tpu.memory_space<vmem>>) offsets(%dma_start3A_58 : memref<128xi32, #tpu.memory_space<vmem>>) semaphore(%arg12 : memref<!tpu.dma_semaphore, #tpu.memory_space<semaphore_mem>>)
        %dma_wait3A = arith.constant 0 : i32
        %dma_wait3A_62 = tpu.memref_slice %arg6[%add3A_53, %dma_wait3A] : memref<8x128xi32, #tpu.memory_space<vmem>> -> memref<1x128xi32, #tpu.memory_space<vmem>>
        %dma_wait3A_63 = tpu.memref_squeeze %dma_wait3A_62 : memref<1x128xi32, #tpu.memory_space<vmem>> -> memref<128xi32, #tpu.memory_space<vmem>>
        %dma_wait3A_64 = arith.constant 0 : i32
        %dma_wait3A_65 = arith.constant 0 : i32
        %dma_wait3A_66 = tpu.memref_slice %arg2[%dma_wait3A_64, %dma_wait3A_65] : memref<10000x128xf32, #tpu.memory_space<hbm>> -> memref<10000x128xf32, #tpu.memory_space<hbm>>
        tpu.wait_indirect_dma semaphore(%arg11 : memref<!tpu.dma_semaphore, #tpu.memory_space<semaphore_mem>>) src(%dma_wait3A_66 : memref<10000x128xf32, #tpu.memory_space<hbm>>) dst(%arg8 : memref<128x128xf32, #tpu.memory_space<vmem>>)
        "tpu.region"() ({
          %run_scoped3A = tpu.sem_alloc : memref<!tpu.dma_semaphore, #tpu.memory_space<semaphore_mem>>
          %dma_start3A_81 = arith.constant 0 : i32
          %dma_start3A_82 = tpu.memref_slice %arg7[%add3A_53, %dma_start3A_81] : memref<8x128xi32, #tpu.memory_space<vmem>> -> memref<1x128xi32, #tpu.memory_space<vmem>>
          %dma_start3A_83 = tpu.memref_squeeze %dma_start3A_82 : memref<1x128xi32, #tpu.memory_space<vmem>> -> memref<128xi32, #tpu.memory_space<vmem>>
          %dma_start3A_84 = arith.constant 0 : i32
          %dma_start3A_85 = arith.constant 0 : i32
          %dma_start3A_86 = tpu.memref_slice %arg10[%dma_start3A_84, %dma_start3A_85] : memref<10240x128xf32, #tpu.memory_space<vmem_shared>> -> memref<10240x128xf32, #tpu.memory_space<vmem_shared>>
          tpu.enqueue_indirect_dma source(%arg8 : memref<128x128xf32, #tpu.memory_space<vmem>>) target(%dma_start3A_86 : memref<10240x128xf32, #tpu.memory_space<vmem_shared>>) offsets(%dma_start3A_83 : memref<128xi32, #tpu.memory_space<vmem>>) semaphore(%run_scoped3A : memref<!tpu.dma_semaphore, #tpu.memory_space<semaphore_mem>>) {add = true}
          %dma_wait3A_87 = arith.constant 0 : i32
          %dma_wait3A_88 = tpu.memref_slice %arg7[%add3A_53, %dma_wait3A_87] : memref<8x128xi32, #tpu.memory_space<vmem>> -> memref<1x128xi32, #tpu.memory_space<vmem>>
          %dma_wait3A_89 = tpu.memref_squeeze %dma_wait3A_88 : memref<1x128xi32, #tpu.memory_space<vmem>> -> memref<128xi32, #tpu.memory_space<vmem>>
          %dma_wait3A_90 = arith.constant 0 : i32
          %dma_wait3A_91 = arith.constant 0 : i32
          %dma_wait3A_92 = tpu.memref_slice %arg10[%dma_wait3A_90, %dma_wait3A_91] : memref<10240x128xf32, #tpu.memory_space<vmem_shared>> -> memref<10240x128xf32, #tpu.memory_space<vmem_shared>>
          tpu.wait_indirect_dma semaphore(%run_scoped3A : memref<!tpu.dma_semaphore, #tpu.memory_space<semaphore_mem>>) src(%arg8 : memref<128x128xf32, #tpu.memory_space<vmem>>) dst(%dma_wait3A_92 : memref<10240x128xf32, #tpu.memory_space<vmem_shared>>)
          tpu.yield
        }) : () -> ()
        %add3A_67 = arith.constant 2 : i32
        %add3A_68 = arith.addi %add3A_53, %add3A_67 : i32
        %lt3A = arith.constant 8 : i32
        %lt3A_69 = arith.cmpi slt, %add3A_68, %lt3A : i32
        %convert_element_type3A = arith.extui %lt3A_69 : i1 to i32
        %cond3A = arith.constant 0 : i32
        %cond3A_70 = arith.cmpi ne, %convert_element_type3A, %cond3A : i32
        scf.if %cond3A_70 {
          %add3A_81 = arith.constant 2 : i32
          %add3A_82 = arith.addi %add3A_53, %add3A_81 : i32
          %dma_start3A_83 = arith.constant 0 : i32
          %dma_start3A_84 = tpu.memref_slice %arg6[%add3A_82, %dma_start3A_83] : memref<8x128xi32, #tpu.memory_space<vmem>> -> memref<1x128xi32, #tpu.memory_space<vmem>>
          %dma_start3A_85 = tpu.memref_squeeze %dma_start3A_84 : memref<1x128xi32, #tpu.memory_space<vmem>> -> memref<128xi32, #tpu.memory_space<vmem>>
          %dma_start3A_86 = arith.constant 0 : i32
          %dma_start3A_87 = arith.constant 0 : i32
          %dma_start3A_88 = tpu.memref_slice %arg2[%dma_start3A_86, %dma_start3A_87] : memref<10000x128xf32, #tpu.memory_space<hbm>> -> memref<10000x128xf32, #tpu.memory_space<hbm>>
          tpu.enqueue_indirect_dma source(%dma_start3A_88 : memref<10000x128xf32, #tpu.memory_space<hbm>>) target(%arg8 : memref<128x128xf32, #tpu.memory_space<vmem>>) offsets(%dma_start3A_85 : memref<128xi32, #tpu.memory_space<vmem>>) semaphore(%arg11 : memref<!tpu.dma_semaphore, #tpu.memory_space<semaphore_mem>>)
        } else {
        }
        %add3A_71 = arith.constant 1 : i32
        %add3A_72 = arith.addi %add3A_53, %add3A_71 : i32
        %dma_wait3A_73 = arith.constant 0 : i32
        %dma_wait3A_74 = tpu.memref_slice %arg6[%add3A_72, %dma_wait3A_73] : memref<8x128xi32, #tpu.memory_space<vmem>> -> memref<1x128xi32, #tpu.memory_space<vmem>>
        %dma_wait3A_75 = tpu.memref_squeeze %dma_wait3A_74 : memref<1x128xi32, #tpu.memory_space<vmem>> -> memref<128xi32, #tpu.memory_space<vmem>>
        %dma_wait3A_76 = arith.constant 0 : i32
        %dma_wait3A_77 = arith.constant 0 : i32
        %dma_wait3A_78 = tpu.memref_slice %arg2[%dma_wait3A_76, %dma_wait3A_77] : memref<10000x128xf32, #tpu.memory_space<hbm>> -> memref<10000x128xf32, #tpu.memory_space<hbm>>
        tpu.wait_indirect_dma semaphore(%arg12 : memref<!tpu.dma_semaphore, #tpu.memory_space<semaphore_mem>>) src(%dma_wait3A_78 : memref<10000x128xf32, #tpu.memory_space<hbm>>) dst(%arg9 : memref<128x128xf32, #tpu.memory_space<vmem>>)
        %add3A_79 = arith.constant 1 : i32
        %add3A_80 = arith.addi %add3A_53, %add3A_79 : i32
        "tpu.region"() ({
          %run_scoped3A = tpu.sem_alloc : memref<!tpu.dma_semaphore, #tpu.memory_space<semaphore_mem>>
          %dma_start3A_81 = arith.constant 0 : i32
          %dma_start3A_82 = tpu.memref_slice %arg7[%add3A_80, %dma_start3A_81] : memref<8x128xi32, #tpu.memory_space<vmem>> -> memref<1x128xi32, #tpu.memory_space<vmem>>
          %dma_start3A_83 = tpu.memref_squeeze %dma_start3A_82 : memref<1x128xi32, #tpu.memory_space<vmem>> -> memref<128xi32, #tpu.memory_space<vmem>>
          %dma_start3A_84 = arith.constant 0 : i32
          %dma_start3A_85 = arith.constant 0 : i32
          %dma_start3A_86 = tpu.memref_slice %arg10[%dma_start3A_84, %dma_start3A_85] : memref<10240x128xf32, #tpu.memory_space<vmem_shared>> -> memref<10240x128xf32, #tpu.memory_space<vmem_shared>>
          tpu.enqueue_indirect_dma source(%arg9 : memref<128x128xf32, #tpu.memory_space<vmem>>) target(%dma_start3A_86 : memref<10240x128xf32, #tpu.memory_space<vmem_shared>>) offsets(%dma_start3A_83 : memref<128xi32, #tpu.memory_space<vmem>>) semaphore(%run_scoped3A : memref<!tpu.dma_semaphore, #tpu.memory_space<semaphore_mem>>) {add = true}
          %dma_wait3A_87 = arith.constant 0 : i32
          %dma_wait3A_88 = tpu.memref_slice %arg7[%add3A_80, %dma_wait3A_87] : memref<8x128xi32, #tpu.memory_space<vmem>> -> memref<1x128xi32, #tpu.memory_space<vmem>>
          %dma_wait3A_89 = tpu.memref_squeeze %dma_wait3A_88 : memref<1x128xi32, #tpu.memory_space<vmem>> -> memref<128xi32, #tpu.memory_space<vmem>>
          %dma_wait3A_90 = arith.constant 0 : i32
          %dma_wait3A_91 = arith.constant 0 : i32
          %dma_wait3A_92 = tpu.memref_slice %arg10[%dma_wait3A_90, %dma_wait3A_91] : memref<10240x128xf32, #tpu.memory_space<vmem_shared>> -> memref<10240x128xf32, #tpu.memory_space<vmem_shared>>
          tpu.wait_indirect_dma semaphore(%run_scoped3A : memref<!tpu.dma_semaphore, #tpu.memory_space<semaphore_mem>>) src(%arg9 : memref<128x128xf32, #tpu.memory_space<vmem>>) dst(%dma_wait3A_92 : memref<10240x128xf32, #tpu.memory_space<vmem_shared>>)
          tpu.yield
        }) : () -> ()
      }
      %scan3A_48 = arith.constant 4 : i32
    }
    %scan3A_24 = arith.constant 10 : i32
    %barrier3A_25 = arith.constant 0 : index
    tpu.barrier barrier_id(%barrier3A_25)
    %scan3A_26 = arith.constant 0 : i32
    %scan3A_27 = arith.constant 5 : i32
    %scan3A_28 = arith.addi %scan3A_26, %scan3A_27 : i32
    %scan3A_29 = arith.constant 1 : i32
    scf.for %scan3A_31 = %scan3A_26 to %scan3A_28 step %scan3A_29  : i32 {
      %mul3A_32 = arith.constant 128 : i32
      %mul3A_33 = arith.muli %scan3A_31, %mul3A_32 : i32
      %add3A_34 = arith.constant 0 : i32
      %add3A_35 = arith.addi %add3A_34, %mul3A_33 : i32
      %add3A_36 = arith.addi %mul3A_10, %add3A_35 : i32
      %mul3A_37 = arith.constant 10240 : i32
      %mul3A_38 = arith.muli %arg0, %mul3A_37 : i32
      %add3A_39 = arith.addi %mul3A_38, %mul3A_10 : i32
      %add3A_40 = arith.addi %add3A_39, %add3A_35 : i32
      "tpu.region"() ({
        %run_scoped3A = tpu.sem_alloc : memref<!tpu.dma_semaphore, #tpu.memory_space<semaphore_mem>>
        %dma_start3A = arith.constant 0 : i32
        %dma_start3A_41 = tpu.memref_slice %arg5[%add3A_40, %dma_start3A] : memref<20480x128xf32, #tpu.memory_space<hbm>> -> memref<128x128xf32, #tpu.memory_space<hbm>>
        %dma_start3A_42 = arith.constant 0 : i32
        %dma_start3A_43 = tpu.memref_slice %arg10[%add3A_36, %dma_start3A_42] : memref<10240x128xf32, #tpu.memory_space<vmem_shared>> -> memref<128x128xf32, #tpu.memory_space<vmem_shared>>
        tpu.enqueue_dma source(%dma_start3A_43 : memref<128x128xf32, #tpu.memory_space<vmem_shared>>) target(%dma_start3A_41 : memref<128x128xf32, #tpu.memory_space<hbm>>) target_semaphore(%run_scoped3A : memref<!tpu.dma_semaphore, #tpu.memory_space<semaphore_mem>>)
        %dma_wait3A = arith.constant 0 : i32
        %dma_wait3A_44 = tpu.memref_slice %arg5[%add3A_40, %dma_wait3A] : memref<20480x128xf32, #tpu.memory_space<hbm>> -> memref<128x128xf32, #tpu.memory_space<hbm>>
        %dma_wait3A_45 = arith.constant 0 : i32
        %dma_wait3A_46 = tpu.memref_slice %arg10[%add3A_36, %dma_wait3A_45] : memref<10240x128xf32, #tpu.memory_space<vmem_shared>> -> memref<128x128xf32, #tpu.memory_space<vmem_shared>>
        tpu.wait_dma2 semaphore(%run_scoped3A : memref<!tpu.dma_semaphore, #tpu.memory_space<semaphore_mem>>) src(%dma_wait3A_46 : memref<128x128xf32, #tpu.memory_space<vmem_shared>>) dst(%dma_wait3A_44 : memref<128x128xf32, #tpu.memory_space<hbm>>)
        tpu.yield
      }) : () -> ()
    }
    %scan3A_30 = arith.constant 5 : i32
    return
  }
}

module attributes {stable_mosaic.version = 14 : i64} {
  func.func @_embed_body(%arg0: i32, %arg1: memref<2000x128xf32, #tpu.memory_space<vmem>>, %arg2: memref<128x128xf32, #tpu.memory_space<vmem>>, %arg3: memref<1x128xf32, #tpu.memory_space<vmem>>, %arg4: memref<2000x128xf32, #tpu.memory_space<vmem>>) attributes {dimension_semantics = [#tpu.dimension_semantics<arbitrary>], iteration_bounds = array<i64: 5>, scalar_prefetch = 0 : i64, scratch_operands = 0 : i64, tpu.core_type = #tpu.core_type<tc>, window_params = [{transform_indices = @transform_0, window_bounds = array<i64: 2000, 128>}, {pipeline_mode = #tpu.pipeline_mode<synchronous>, transform_indices = @transform_1, window_bounds = array<i64: 128, 128>}, {pipeline_mode = #tpu.pipeline_mode<synchronous>, transform_indices = @transform_2, window_bounds = array<i64: 1, 128>}, {transform_indices = @transform_3, window_bounds = array<i64: 2000, 128>}]} {
    %get3A = arith.constant 0 : index
    %get3A_0 = arith.constant 0 : index
    %get3A_1 = vector.load %arg1[%get3A, %get3A_0] : memref<2000x128xf32, #tpu.memory_space<vmem>>, vector<2000x128xf32>
    %get3A_2 = arith.constant 0 : index
    %get3A_3 = arith.constant 0 : index
    %get3A_4 = vector.load %arg2[%get3A_2, %get3A_3] : memref<128x128xf32, #tpu.memory_space<vmem>>, vector<128x128xf32>
    %dot_general3A = arith.constant dense<0.000000e+00> : vector<2000x128xf32>
    %dot_general3A_5 = tpu.matmul %get3A_1, %get3A_4, %dot_general3A {dimension_numbers = #tpu.dot_dimension_numbers<[1], [0], [0], [1], [0, 0, 1, 1], [], []>, precision = #tpu.contract_precision<fp32>, transpose_lhs_hint = false} : vector<2000x128xf32>, vector<128x128xf32>, vector<2000x128xf32> -> vector<2000x128xf32>
    %get3A_6 = arith.constant 0 : index
    %get3A_7 = arith.constant 0 : index
    %get3A_8 = vector.load %arg3[%get3A_6, %get3A_7] : memref<1x128xf32, #tpu.memory_space<vmem>>, vector<1x128xf32>
    %add3A = vector.broadcast %get3A_8 : vector<1x128xf32> to vector<2000x128xf32>
    %add3A_9 = arith.addf %dot_general3A_5, %add3A : vector<2000x128xf32>
    %swap3A = arith.constant 0 : index
    %swap3A_10 = arith.constant 0 : index
    %swap3A_11 = vector.load %arg4[%swap3A, %swap3A_10] : memref<2000x128xf32, #tpu.memory_space<vmem>>, vector<2000x128xf32>
    tpu.vector_store %arg4[%swap3A, %swap3A_10], %add3A_9 {strides = array<i32>} : memref<2000x128xf32, #tpu.memory_space<vmem>>, vector<2000x128xf32>,
    return
  }
  func.func @transform_0(%arg0: i32) -> (i32, i32) {
    %c0_i32 = arith.constant 0 : i32
    %c0_i32_0 = arith.constant 0 : i32
    return %arg0, %c0_i32 : i32, i32
  }
  func.func @transform_1(%arg0: i32) -> (i32, i32) {
    %c0_i32 = arith.constant 0 : i32
    %c0_i32_0 = arith.constant 0 : i32
    %c0_i32_1 = arith.constant 0 : i32
    return %c0_i32, %c0_i32_0 : i32, i32
  }
  func.func @transform_2(%arg0: i32) -> (i32, i32) {
    %c0_i32 = arith.constant 0 : i32
    %c0_i32_0 = arith.constant 0 : i32
    %c0_i32_1 = arith.constant 0 : i32
    return %c0_i32, %c0_i32_0 : i32, i32
  }
  func.func @transform_3(%arg0: i32) -> (i32, i32) {
    %c0_i32 = arith.constant 0 : i32
    %c0_i32_0 = arith.constant 0 : i32
    return %arg0, %c0_i32 : i32, i32
  }
}

module attributes {stable_mosaic.version = 14 : i64} {
  func.func @_sage_first_body(%arg0: i32, %arg1: memref<2x2000x128xf32, #tpu.memory_space<vmem>>, %arg2: memref<2000x128xf32, #tpu.memory_space<vmem>>, %arg3: memref<128x128xf32, #tpu.memory_space<vmem>>, %arg4: memref<1x128xf32, #tpu.memory_space<vmem>>, %arg5: memref<128x128xf32, #tpu.memory_space<vmem>>, %arg6: memref<2000x128xf32, #tpu.memory_space<vmem>>, %arg7: memref<2000x16xf32, #tpu.memory_space<vmem>>) attributes {dimension_semantics = [#tpu.dimension_semantics<arbitrary>], iteration_bounds = array<i64: 5>, scalar_prefetch = 0 : i64, scratch_operands = 0 : i64, tpu.core_type = #tpu.core_type<tc>, window_params = [{transform_indices = @transform_0, window_bounds = array<i64: 2, 2000, 128>}, {transform_indices = @transform_1, window_bounds = array<i64: 2000, 128>}, {pipeline_mode = #tpu.pipeline_mode<synchronous>, transform_indices = @transform_2, window_bounds = array<i64: 128, 128>}, {pipeline_mode = #tpu.pipeline_mode<synchronous>, transform_indices = @transform_3, window_bounds = array<i64: 1, 128>}, {pipeline_mode = #tpu.pipeline_mode<synchronous>, transform_indices = @transform_4, window_bounds = array<i64: 128, 128>}, {transform_indices = @transform_5, window_bounds = array<i64: 2000, 128>}, {transform_indices = @transform_6, window_bounds = array<i64: 2000, 16>}]} {
    %get3A = arith.constant 1 : index
    %get3A_0 = arith.constant 0 : index
    %get3A_1 = arith.constant 0 : index
    %get3A_2 = vector.load %arg1[%get3A, %get3A_0, %get3A_1] : memref<2x2000x128xf32, #tpu.memory_space<vmem>>, vector<1x2000x16xf32>
    %get3A_3 = vector.shape_cast %get3A_2 : vector<1x2000x16xf32> to vector<2000x16xf32>
    %get3A_4 = arith.constant 0 : index
    %get3A_5 = arith.constant 0 : index
    %get3A_6 = arith.constant 0 : index
    %get3A_7 = vector.load %arg1[%get3A_4, %get3A_5, %get3A_6] : memref<2x2000x128xf32, #tpu.memory_space<vmem>>, vector<1x2000x128xf32>
    %get3A_8 = vector.shape_cast %get3A_7 : vector<1x2000x128xf32> to vector<2000x128xf32>
    %get3A_9 = arith.constant 0 : index
    %get3A_10 = arith.constant 0 : index
    %get3A_11 = vector.load %arg2[%get3A_9, %get3A_10] : memref<2000x128xf32, #tpu.memory_space<vmem>>, vector<2000x128xf32>
    %slice3A = vector.extract_strided_slice %get3A_3 {offsets = [0, 0], sizes = [2000, 1], strides = [1, 1]} : vector<2000x16xf32> to vector<2000x1xf32>
    %max3A = arith.constant 1.000000e+00 : f32
    %max3A_12 = vector.broadcast %max3A : f32 to vector<2000x1xf32>
    %max3A_13 = arith.maximumf %slice3A, %max3A_12 : vector<2000x1xf32>
    %div3A = vector.broadcast %max3A_13 : vector<2000x1xf32> to vector<2000x128xf32>
    %div3A_14 = arith.divf %get3A_8, %div3A : vector<2000x128xf32>
    %get3A_15 = arith.constant 0 : index
    %get3A_16 = arith.constant 0 : index
    %get3A_17 = vector.load %arg3[%get3A_15, %get3A_16] : memref<128x128xf32, #tpu.memory_space<vmem>>, vector<128x128xf32>
    %dot_general3A = arith.constant dense<0.000000e+00> : vector<2000x128xf32>
    %dot_general3A_18 = tpu.matmul %div3A_14, %get3A_17, %dot_general3A {dimension_numbers = #tpu.dot_dimension_numbers<[1], [0], [0], [1], [0, 0, 1, 1], [], []>, precision = #tpu.contract_precision<fp32>, transpose_lhs_hint = false} : vector<2000x128xf32>, vector<128x128xf32>, vector<2000x128xf32> -> vector<2000x128xf32>
    %get3A_19 = arith.constant 0 : index
    %get3A_20 = arith.constant 0 : index
    %get3A_21 = vector.load %arg4[%get3A_19, %get3A_20] : memref<1x128xf32, #tpu.memory_space<vmem>>, vector<1x128xf32>
    %add3A = vector.broadcast %get3A_21 : vector<1x128xf32> to vector<2000x128xf32>
    %add3A_22 = arith.addf %dot_general3A_18, %add3A : vector<2000x128xf32>
    %get3A_23 = arith.constant 0 : index
    %get3A_24 = arith.constant 0 : index
    %get3A_25 = vector.load %arg5[%get3A_23, %get3A_24] : memref<128x128xf32, #tpu.memory_space<vmem>>, vector<128x128xf32>
    %dot_general3A_26 = arith.constant dense<0.000000e+00> : vector<2000x128xf32>
    %dot_general3A_27 = tpu.matmul %get3A_11, %get3A_25, %dot_general3A_26 {dimension_numbers = #tpu.dot_dimension_numbers<[1], [0], [0], [1], [0, 0, 1, 1], [], []>, precision = #tpu.contract_precision<fp32>, transpose_lhs_hint = false} : vector<2000x128xf32>, vector<128x128xf32>, vector<2000x128xf32> -> vector<2000x128xf32>
    %add3A_28 = arith.addf %add3A_22, %dot_general3A_27 : vector<2000x128xf32>
    %max3A_29 = arith.constant 0.000000e+00 : f32
    %max3A_30 = vector.broadcast %max3A_29 : f32 to vector<2000x128xf32>
    %max3A_31 = arith.maximumf %add3A_28, %max3A_30 : vector<2000x128xf32>
    %swap3A = arith.constant 0 : index
    %swap3A_32 = arith.constant 0 : index
    %swap3A_33 = vector.load %arg6[%swap3A, %swap3A_32] : memref<2000x128xf32, #tpu.memory_space<vmem>>, vector<2000x128xf32>
    tpu.vector_store %arg6[%swap3A, %swap3A_32], %max3A_31 {strides = array<i32>} : memref<2000x128xf32, #tpu.memory_space<vmem>>, vector<2000x128xf32>,
    %swap3A_34 = arith.constant 0 : index
    %swap3A_35 = arith.constant 0 : index
    %swap3A_36 = vector.load %arg7[%swap3A_34, %swap3A_35] : memref<2000x16xf32, #tpu.memory_space<vmem>>, vector<2000x16xf32>
    tpu.vector_store %arg7[%swap3A_34, %swap3A_35], %get3A_3 {strides = array<i32>} : memref<2000x16xf32, #tpu.memory_space<vmem>>, vector<2000x16xf32>,
    return
  }
  func.func @transform_0(%arg0: i32) -> (i32, i32, i32) {
    %c0_i32 = arith.constant 0 : i32
    %c0_i32_0 = arith.constant 0 : i32
    %c0_i32_1 = arith.constant 0 : i32
    return %c0_i32, %arg0, %c0_i32_0 : i32, i32, i32
  }
  func.func @transform_1(%arg0: i32) -> (i32, i32) {
    %c0_i32 = arith.constant 0 : i32
    %c0_i32_0 = arith.constant 0 : i32
    return %arg0, %c0_i32 : i32, i32
  }
  func.func @transform_2(%arg0: i32) -> (i32, i32) {
    %c0_i32 = arith.constant 0 : i32
    %c0_i32_0 = arith.constant 0 : i32
    %c0_i32_1 = arith.constant 0 : i32
    return %c0_i32, %c0_i32_0 : i32, i32
  }
  func.func @transform_3(%arg0: i32) -> (i32, i32) {
    %c0_i32 = arith.constant 0 : i32
    %c0_i32_0 = arith.constant 0 : i32
    %c0_i32_1 = arith.constant 0 : i32
    return %c0_i32, %c0_i32_0 : i32, i32
  }
  func.func @transform_4(%arg0: i32) -> (i32, i32) {
    %c0_i32 = arith.constant 0 : i32
    %c0_i32_0 = arith.constant 0 : i32
    %c0_i32_1 = arith.constant 0 : i32
    return %c0_i32, %c0_i32_0 : i32, i32
  }
  func.func @transform_5(%arg0: i32) -> (i32, i32) {
    %c0_i32 = arith.constant 0 : i32
    %c0_i32_0 = arith.constant 0 : i32
    return %arg0, %c0_i32 : i32, i32
  }
  func.func @transform_6(%arg0: i32) -> (i32, i32) {
    %c0_i32 = arith.constant 0 : i32
    %c0_i32_0 = arith.constant 0 : i32
    return %arg0, %c0_i32 : i32, i32
  }
}

module attributes {stable_mosaic.version = 14 : i64} {
  func.func @_sage_second_body(%arg0: i32, %arg1: memref<2x2000x128xf32, #tpu.memory_space<vmem>>, %arg2: memref<2000x16xf32, #tpu.memory_space<vmem>>, %arg3: memref<2000x128xf32, #tpu.memory_space<vmem>>, %arg4: memref<128x128xf32, #tpu.memory_space<vmem>>, %arg5: memref<1x128xf32, #tpu.memory_space<vmem>>, %arg6: memref<128x128xf32, #tpu.memory_space<vmem>>, %arg7: memref<2000x128xf32, #tpu.memory_space<vmem>>) attributes {dimension_semantics = [#tpu.dimension_semantics<arbitrary>], iteration_bounds = array<i64: 5>, scalar_prefetch = 0 : i64, scratch_operands = 0 : i64, tpu.core_type = #tpu.core_type<tc>, window_params = [{transform_indices = @transform_0, window_bounds = array<i64: 2, 2000, 128>}, {transform_indices = @transform_1, window_bounds = array<i64: 2000, 16>}, {transform_indices = @transform_2, window_bounds = array<i64: 2000, 128>}, {pipeline_mode = #tpu.pipeline_mode<synchronous>, transform_indices = @transform_3, window_bounds = array<i64: 128, 128>}, {pipeline_mode = #tpu.pipeline_mode<synchronous>, transform_indices = @transform_4, window_bounds = array<i64: 1, 128>}, {pipeline_mode = #tpu.pipeline_mode<synchronous>, transform_indices = @transform_5, window_bounds = array<i64: 128, 128>}, {transform_indices = @transform_6, window_bounds = array<i64: 2000, 128>}]} {
    %get3A = arith.constant 0 : index
    %get3A_0 = arith.constant 0 : index
    %get3A_1 = arith.constant 0 : index
    %get3A_2 = vector.load %arg1[%get3A, %get3A_0, %get3A_1] : memref<2x2000x128xf32, #tpu.memory_space<vmem>>, vector<1x2000x128xf32>
    %get3A_3 = vector.shape_cast %get3A_2 : vector<1x2000x128xf32> to vector<2000x128xf32>
    %get3A_4 = arith.constant 1 : index
    %get3A_5 = arith.constant 0 : index
    %get3A_6 = arith.constant 0 : index
    %get3A_7 = vector.load %arg1[%get3A_4, %get3A_5, %get3A_6] : memref<2x2000x128xf32, #tpu.memory_space<vmem>>, vector<1x2000x128xf32>
    %get3A_8 = vector.shape_cast %get3A_7 : vector<1x2000x128xf32> to vector<2000x128xf32>
    %add3A = arith.addf %get3A_3, %get3A_8 : vector<2000x128xf32>
    %get3A_9 = arith.constant 0 : index
    %get3A_10 = arith.constant 0 : index
    %get3A_11 = vector.load %arg2[%get3A_9, %get3A_10] : memref<2000x16xf32, #tpu.memory_space<vmem>>, vector<2000x16xf32>
    %get3A_12 = arith.constant 0 : index
    %get3A_13 = arith.constant 0 : index
    %get3A_14 = vector.load %arg3[%get3A_12, %get3A_13] : memref<2000x128xf32, #tpu.memory_space<vmem>>, vector<2000x128xf32>
    %slice3A = vector.extract_strided_slice %get3A_11 {offsets = [0, 0], sizes = [2000, 1], strides = [1, 1]} : vector<2000x16xf32> to vector<2000x1xf32>
    %max3A = arith.constant 1.000000e+00 : f32
    %max3A_15 = vector.broadcast %max3A : f32 to vector<2000x1xf32>
    %max3A_16 = arith.maximumf %slice3A, %max3A_15 : vector<2000x1xf32>
    %div3A = vector.broadcast %max3A_16 : vector<2000x1xf32> to vector<2000x128xf32>
    %div3A_17 = arith.divf %add3A, %div3A : vector<2000x128xf32>
    %get3A_18 = arith.constant 0 : index
    %get3A_19 = arith.constant 0 : index
    %get3A_20 = vector.load %arg4[%get3A_18, %get3A_19] : memref<128x128xf32, #tpu.memory_space<vmem>>, vector<128x128xf32>
    %dot_general3A = arith.constant dense<0.000000e+00> : vector<2000x128xf32>
    %dot_general3A_21 = tpu.matmul %div3A_17, %get3A_20, %dot_general3A {dimension_numbers = #tpu.dot_dimension_numbers<[1], [0], [0], [1], [0, 0, 1, 1], [], []>, precision = #tpu.contract_precision<fp32>, transpose_lhs_hint = false} : vector<2000x128xf32>, vector<128x128xf32>, vector<2000x128xf32> -> vector<2000x128xf32>
    %get3A_22 = arith.constant 0 : index
    %get3A_23 = arith.constant 0 : index
    %get3A_24 = vector.load %arg5[%get3A_22, %get3A_23] : memref<1x128xf32, #tpu.memory_space<vmem>>, vector<1x128xf32>
    %add3A_25 = vector.broadcast %get3A_24 : vector<1x128xf32> to vector<2000x128xf32>
    %add3A_26 = arith.addf %dot_general3A_21, %add3A_25 : vector<2000x128xf32>
    %get3A_27 = arith.constant 0 : index
    %get3A_28 = arith.constant 0 : index
    %get3A_29 = vector.load %arg6[%get3A_27, %get3A_28] : memref<128x128xf32, #tpu.memory_space<vmem>>, vector<128x128xf32>
    %dot_general3A_30 = arith.constant dense<0.000000e+00> : vector<2000x128xf32>
    %dot_general3A_31 = tpu.matmul %get3A_14, %get3A_29, %dot_general3A_30 {dimension_numbers = #tpu.dot_dimension_numbers<[1], [0], [0], [1], [0, 0, 1, 1], [], []>, precision = #tpu.contract_precision<fp32>, transpose_lhs_hint = false} : vector<2000x128xf32>, vector<128x128xf32>, vector<2000x128xf32> -> vector<2000x128xf32>
    %add3A_32 = arith.addf %add3A_26, %dot_general3A_31 : vector<2000x128xf32>
    %max3A_33 = arith.constant 0.000000e+00 : f32
    %max3A_34 = vector.broadcast %max3A_33 : f32 to vector<2000x128xf32>
    %max3A_35 = arith.maximumf %add3A_32, %max3A_34 : vector<2000x128xf32>
    %swap3A = arith.constant 0 : index
    %swap3A_36 = arith.constant 0 : index
    %swap3A_37 = vector.load %arg7[%swap3A, %swap3A_36] : memref<2000x128xf32, #tpu.memory_space<vmem>>, vector<2000x128xf32>
    tpu.vector_store %arg7[%swap3A, %swap3A_36], %max3A_35 {strides = array<i32>} : memref<2000x128xf32, #tpu.memory_space<vmem>>, vector<2000x128xf32>,
    return
  }
  func.func @transform_0(%arg0: i32) -> (i32, i32, i32) {
    %c0_i32 = arith.constant 0 : i32
    %c0_i32_0 = arith.constant 0 : i32
    %c0_i32_1 = arith.constant 0 : i32
    return %c0_i32, %arg0, %c0_i32_0 : i32, i32, i32
  }
  func.func @transform_1(%arg0: i32) -> (i32, i32) {
    %c0_i32 = arith.constant 0 : i32
    %c0_i32_0 = arith.constant 0 : i32
    return %arg0, %c0_i32 : i32, i32
  }
  func.func @transform_2(%arg0: i32) -> (i32, i32) {
    %c0_i32 = arith.constant 0 : i32
    %c0_i32_0 = arith.constant 0 : i32
    return %arg0, %c0_i32 : i32, i32
  }
  func.func @transform_3(%arg0: i32) -> (i32, i32) {
    %c0_i32 = arith.constant 0 : i32
    %c0_i32_0 = arith.constant 0 : i32
    %c0_i32_1 = arith.constant 0 : i32
    return %c0_i32, %c0_i32_0 : i32, i32
  }
  func.func @transform_4(%arg0: i32) -> (i32, i32) {
    %c0_i32 = arith.constant 0 : i32
    %c0_i32_0 = arith.constant 0 : i32
    %c0_i32_1 = arith.constant 0 : i32
    return %c0_i32, %c0_i32_0 : i32, i32
  }
  func.func @transform_5(%arg0: i32) -> (i32, i32) {
    %c0_i32 = arith.constant 0 : i32
    %c0_i32_0 = arith.constant 0 : i32
    %c0_i32_1 = arith.constant 0 : i32
    return %c0_i32, %c0_i32_0 : i32, i32
  }
  func.func @transform_6(%arg0: i32) -> (i32, i32) {
    %c0_i32 = arith.constant 0 : i32
    %c0_i32_0 = arith.constant 0 : i32
    return %arg0, %c0_i32 : i32, i32
  }
}

module attributes {stable_mosaic.version = 14 : i64} {
  func.func @_readout_body(%arg0: i32, %arg1: memref<10000x128xf32, #tpu.memory_space<vmem>>, %arg2: memref<10000x1xi32, #tpu.memory_space<vmem>>, %arg3: memref<1x128xf32, #tpu.memory_space<vmem>>, %arg4: memref<128x128xf32, #tpu.memory_space<vmem>>, %arg5: memref<1x128xf32, #tpu.memory_space<vmem>>, %arg6: memref<1xf32, #tpu.memory_space<smem>>, %arg7: memref<16x128xf32, #tpu.memory_space<vmem>>) attributes {dimension_semantics = [#tpu.dimension_semantics<arbitrary>], iteration_bounds = array<i64: 1>, scalar_prefetch = 0 : i64, scratch_operands = 0 : i64, tpu.core_type = #tpu.core_type<tc>, window_params = [{pipeline_mode = #tpu.pipeline_mode<synchronous>, transform_indices = @transform_0, window_bounds = array<i64: 10000, 128>}, {pipeline_mode = #tpu.pipeline_mode<synchronous>, transform_indices = @transform_1, window_bounds = array<i64: 10000, 1>}, {pipeline_mode = #tpu.pipeline_mode<synchronous>, transform_indices = @transform_2, window_bounds = array<i64: 1, 128>}, {pipeline_mode = #tpu.pipeline_mode<synchronous>, transform_indices = @transform_3, window_bounds = array<i64: 128, 128>}, {pipeline_mode = #tpu.pipeline_mode<synchronous>, transform_indices = @transform_4, window_bounds = array<i64: 1, 128>}, {transform_indices = @transform_5, window_bounds = array<i64: 1>}, {pipeline_mode = #tpu.pipeline_mode<synchronous>, transform_indices = @transform_6, window_bounds = array<i64: 16, 128>}]} {
    %get3A = arith.constant 0 : index
    %get3A_0 = arith.constant 0 : index
    %get3A_1 = vector.load %arg1[%get3A, %get3A_0] : memref<10000x128xf32, #tpu.memory_space<vmem>>, vector<10000x128xf32>
    %get3A_2 = arith.constant 0 : index
    %get3A_3 = arith.constant 0 : index
    %get3A_4 = vector.load %arg3[%get3A_2, %get3A_3] : memref<1x128xf32, #tpu.memory_space<vmem>>, vector<1x128xf32>
    %mul3A = vector.broadcast %get3A_4 : vector<1x128xf32> to vector<10000x128xf32>
    %mul3A_5 = arith.mulf %get3A_1, %mul3A : vector<10000x128xf32>
    %reduce_sum3A = arith.constant dense<0.000000e+00> : vector<10000xf32>
    %reduce_sum3A_6 = vector.multi_reduction <add>, %mul3A_5, %reduce_sum3A [1] : vector<10000x128xf32> to vector<10000xf32>
    %broadcast_in_dim3A = vector.shape_cast %reduce_sum3A_6 : vector<10000xf32> to vector<10000x1xf32>
    %get3A_7 = arith.constant 0 : index
    %get3A_8 = memref.load %arg6[%get3A_7] : memref<1xf32, #tpu.memory_space<smem>>
    %add3A = vector.broadcast %get3A_8 : f32 to vector<10000x1xf32>
    %add3A_9 = arith.addf %broadcast_in_dim3A, %add3A : vector<10000x1xf32>
    %reduce_max3A = vector.shape_cast %add3A_9 : vector<10000x1xf32> to vector<1x10000x1xf32>
    %reduce_max3A_10 = arith.constant dense<0xFF800000> : vector<1xf32>
    %reduce_max3A_11 = vector.multi_reduction <maximumf>, %reduce_max3A, %reduce_max3A_10 [1, 2] : vector<1x10000x1xf32> to vector<1xf32>
    %reduce_max3A_12 = vector.shape_cast %reduce_max3A_11 : vector<1xf32> to vector<1x1x1xf32>
    %reduce_max3A_13 = vector.extract %reduce_max3A_12[0, 0, 0] : f32 from vector<1x1x1xf32>
    %sub3A = vector.broadcast %reduce_max3A_13 : f32 to vector<10000x1xf32>
    %sub3A_14 = arith.subf %add3A_9, %sub3A : vector<10000x1xf32>
    %exp3A = math.exp %sub3A_14 : vector<10000x1xf32>
    %reduce_sum3A_15 = vector.shape_cast %exp3A : vector<10000x1xf32> to vector<1x10000x1xf32>
    %reduce_sum3A_16 = arith.constant dense<0.000000e+00> : vector<1xf32>
    %reduce_sum3A_17 = vector.multi_reduction <add>, %reduce_sum3A_15, %reduce_sum3A_16 [1, 2] : vector<1x10000x1xf32> to vector<1xf32>
    %reduce_sum3A_18 = vector.shape_cast %reduce_sum3A_17 : vector<1xf32> to vector<1x1x1xf32>
    %reduce_sum3A_19 = vector.extract %reduce_sum3A_18[0, 0, 0] : f32 from vector<1x1x1xf32>
    %div3A = vector.broadcast %reduce_sum3A_19 : f32 to vector<10000x1xf32>
    %div3A_20 = arith.divf %exp3A, %div3A : vector<10000x1xf32>
    %mul3A_21 = vector.broadcast %div3A_20 : vector<10000x1xf32> to vector<10000x128xf32>
    %mul3A_22 = arith.mulf %get3A_1, %mul3A_21 : vector<10000x128xf32>
    %get3A_23 = arith.constant 0 : index
    %get3A_24 = arith.constant 0 : index
    %get3A_25 = vector.load %arg2[%get3A_23, %get3A_24] : memref<10000x1xi32, #tpu.memory_space<vmem>>, vector<10000x1xi32>
    %eq3A = arith.constant 0 : i32
    %eq3A_26 = vector.broadcast %eq3A : i32 to vector<10000x1xi32>
    %eq3A_27 = arith.cmpi eq, %get3A_25, %eq3A_26 : vector<10000x1xi32>
    %convert_element_type3A = arith.extui %eq3A_27 : vector<10000x1xi1> to vector<10000x1xi32>
    %convert_element_type3A_28 = arith.sitofp %convert_element_type3A : vector<10000x1xi32> to vector<10000x1xf32>
    %mul3A_29 = vector.broadcast %convert_element_type3A_28 : vector<10000x1xf32> to vector<10000x128xf32>
    %mul3A_30 = arith.mulf %mul3A_22, %mul3A_29 : vector<10000x128xf32>
    %reduce_sum3A_31 = arith.constant dense<0.000000e+00> : vector<128xf32>
    %reduce_sum3A_32 = vector.multi_reduction <add>, %mul3A_30, %reduce_sum3A_31 [0] : vector<10000x128xf32> to vector<128xf32>
    %broadcast_in_dim3A_33 = vector.shape_cast %reduce_sum3A_32 : vector<128xf32> to vector<1x128xf32>
    %eq3A_34 = arith.constant 1 : i32
    %eq3A_35 = vector.broadcast %eq3A_34 : i32 to vector<10000x1xi32>
    %eq3A_36 = arith.cmpi eq, %get3A_25, %eq3A_35 : vector<10000x1xi32>
    %convert_element_type3A_37 = arith.extui %eq3A_36 : vector<10000x1xi1> to vector<10000x1xi32>
    %convert_element_type3A_38 = arith.sitofp %convert_element_type3A_37 : vector<10000x1xi32> to vector<10000x1xf32>
    %mul3A_39 = vector.broadcast %convert_element_type3A_38 : vector<10000x1xf32> to vector<10000x128xf32>
    %mul3A_40 = arith.mulf %mul3A_22, %mul3A_39 : vector<10000x128xf32>
    %reduce_sum3A_41 = arith.constant dense<0.000000e+00> : vector<128xf32>
    %reduce_sum3A_42 = vector.multi_reduction <add>, %mul3A_40, %reduce_sum3A_41 [0] : vector<10000x128xf32> to vector<128xf32>
    %broadcast_in_dim3A_43 = vector.shape_cast %reduce_sum3A_42 : vector<128xf32> to vector<1x128xf32>
    %eq3A_44 = arith.constant 2 : i32
    %eq3A_45 = vector.broadcast %eq3A_44 : i32 to vector<10000x1xi32>
    %eq3A_46 = arith.cmpi eq, %get3A_25, %eq3A_45 : vector<10000x1xi32>
    %convert_element_type3A_47 = arith.extui %eq3A_46 : vector<10000x1xi1> to vector<10000x1xi32>
    %convert_element_type3A_48 = arith.sitofp %convert_element_type3A_47 : vector<10000x1xi32> to vector<10000x1xf32>
    %mul3A_49 = vector.broadcast %convert_element_type3A_48 : vector<10000x1xf32> to vector<10000x128xf32>
    %mul3A_50 = arith.mulf %mul3A_22, %mul3A_49 : vector<10000x128xf32>
    %reduce_sum3A_51 = arith.constant dense<0.000000e+00> : vector<128xf32>
    %reduce_sum3A_52 = vector.multi_reduction <add>, %mul3A_50, %reduce_sum3A_51 [0] : vector<10000x128xf32> to vector<128xf32>
    %broadcast_in_dim3A_53 = vector.shape_cast %reduce_sum3A_52 : vector<128xf32> to vector<1x128xf32>
    %eq3A_54 = arith.constant 3 : i32
    %eq3A_55 = vector.broadcast %eq3A_54 : i32 to vector<10000x1xi32>
    %eq3A_56 = arith.cmpi eq, %get3A_25, %eq3A_55 : vector<10000x1xi32>
    %convert_element_type3A_57 = arith.extui %eq3A_56 : vector<10000x1xi1> to vector<10000x1xi32>
    %convert_element_type3A_58 = arith.sitofp %convert_element_type3A_57 : vector<10000x1xi32> to vector<10000x1xf32>
    %mul3A_59 = vector.broadcast %convert_element_type3A_58 : vector<10000x1xf32> to vector<10000x128xf32>
    %mul3A_60 = arith.mulf %mul3A_22, %mul3A_59 : vector<10000x128xf32>
    %reduce_sum3A_61 = arith.constant dense<0.000000e+00> : vector<128xf32>
    %reduce_sum3A_62 = vector.multi_reduction <add>, %mul3A_60, %reduce_sum3A_61 [0] : vector<10000x128xf32> to vector<128xf32>
    %broadcast_in_dim3A_63 = vector.shape_cast %reduce_sum3A_62 : vector<128xf32> to vector<1x128xf32>
    %eq3A_64 = arith.constant 4 : i32
    %eq3A_65 = vector.broadcast %eq3A_64 : i32 to vector<10000x1xi32>
    %eq3A_66 = arith.cmpi eq, %get3A_25, %eq3A_65 : vector<10000x1xi32>
    %convert_element_type3A_67 = arith.extui %eq3A_66 : vector<10000x1xi1> to vector<10000x1xi32>
    %convert_element_type3A_68 = arith.sitofp %convert_element_type3A_67 : vector<10000x1xi32> to vector<10000x1xf32>
    %mul3A_69 = vector.broadcast %convert_element_type3A_68 : vector<10000x1xf32> to vector<10000x128xf32>
    %mul3A_70 = arith.mulf %mul3A_22, %mul3A_69 : vector<10000x128xf32>
    %reduce_sum3A_71 = arith.constant dense<0.000000e+00> : vector<128xf32>
    %reduce_sum3A_72 = vector.multi_reduction <add>, %mul3A_70, %reduce_sum3A_71 [0] : vector<10000x128xf32> to vector<128xf32>
    %broadcast_in_dim3A_73 = vector.shape_cast %reduce_sum3A_72 : vector<128xf32> to vector<1x128xf32>
    %eq3A_74 = arith.constant 5 : i32
    %eq3A_75 = vector.broadcast %eq3A_74 : i32 to vector<10000x1xi32>
    %eq3A_76 = arith.cmpi eq, %get3A_25, %eq3A_75 : vector<10000x1xi32>
    %convert_element_type3A_77 = arith.extui %eq3A_76 : vector<10000x1xi1> to vector<10000x1xi32>
    %convert_element_type3A_78 = arith.sitofp %convert_element_type3A_77 : vector<10000x1xi32> to vector<10000x1xf32>
    %mul3A_79 = vector.broadcast %convert_element_type3A_78 : vector<10000x1xf32> to vector<10000x128xf32>
    %mul3A_80 = arith.mulf %mul3A_22, %mul3A_79 : vector<10000x128xf32>
    %reduce_sum3A_81 = arith.constant dense<0.000000e+00> : vector<128xf32>
    %reduce_sum3A_82 = vector.multi_reduction <add>, %mul3A_80, %reduce_sum3A_81 [0] : vector<10000x128xf32> to vector<128xf32>
    %broadcast_in_dim3A_83 = vector.shape_cast %reduce_sum3A_82 : vector<128xf32> to vector<1x128xf32>
    %eq3A_84 = arith.constant 6 : i32
    %eq3A_85 = vector.broadcast %eq3A_84 : i32 to vector<10000x1xi32>
    %eq3A_86 = arith.cmpi eq, %get3A_25, %eq3A_85 : vector<10000x1xi32>
    %convert_element_type3A_87 = arith.extui %eq3A_86 : vector<10000x1xi1> to vector<10000x1xi32>
    %convert_element_type3A_88 = arith.sitofp %convert_element_type3A_87 : vector<10000x1xi32> to vector<10000x1xf32>
    %mul3A_89 = vector.broadcast %convert_element_type3A_88 : vector<10000x1xf32> to vector<10000x128xf32>
    %mul3A_90 = arith.mulf %mul3A_22, %mul3A_89 : vector<10000x128xf32>
    %reduce_sum3A_91 = arith.constant dense<0.000000e+00> : vector<128xf32>
    %reduce_sum3A_92 = vector.multi_reduction <add>, %mul3A_90, %reduce_sum3A_91 [0] : vector<10000x128xf32> to vector<128xf32>
    %broadcast_in_dim3A_93 = vector.shape_cast %reduce_sum3A_92 : vector<128xf32> to vector<1x128xf32>
    %eq3A_94 = arith.constant 7 : i32
    %eq3A_95 = vector.broadcast %eq3A_94 : i32 to vector<10000x1xi32>
    %eq3A_96 = arith.cmpi eq, %get3A_25, %eq3A_95 : vector<10000x1xi32>
    %convert_element_type3A_97 = arith.extui %eq3A_96 : vector<10000x1xi1> to vector<10000x1xi32>
    %convert_element_type3A_98 = arith.sitofp %convert_element_type3A_97 : vector<10000x1xi32> to vector<10000x1xf32>
    %mul3A_99 = vector.broadcast %convert_element_type3A_98 : vector<10000x1xf32> to vector<10000x128xf32>
    %mul3A_100 = arith.mulf %mul3A_22, %mul3A_99 : vector<10000x128xf32>
    %reduce_sum3A_101 = arith.constant dense<0.000000e+00> : vector<128xf32>
    %reduce_sum3A_102 = vector.multi_reduction <add>, %mul3A_100, %reduce_sum3A_101 [0] : vector<10000x128xf32> to vector<128xf32>
    %broadcast_in_dim3A_103 = vector.shape_cast %reduce_sum3A_102 : vector<128xf32> to vector<1x128xf32>
    %eq3A_104 = arith.constant 8 : i32
    %eq3A_105 = vector.broadcast %eq3A_104 : i32 to vector<10000x1xi32>
    %eq3A_106 = arith.cmpi eq, %get3A_25, %eq3A_105 : vector<10000x1xi32>
    %convert_element_type3A_107 = arith.extui %eq3A_106 : vector<10000x1xi1> to vector<10000x1xi32>
    %convert_element_type3A_108 = arith.sitofp %convert_element_type3A_107 : vector<10000x1xi32> to vector<10000x1xf32>
    %mul3A_109 = vector.broadcast %convert_element_type3A_108 : vector<10000x1xf32> to vector<10000x128xf32>
    %mul3A_110 = arith.mulf %mul3A_22, %mul3A_109 : vector<10000x128xf32>
    %reduce_sum3A_111 = arith.constant dense<0.000000e+00> : vector<128xf32>
    %reduce_sum3A_112 = vector.multi_reduction <add>, %mul3A_110, %reduce_sum3A_111 [0] : vector<10000x128xf32> to vector<128xf32>
    %broadcast_in_dim3A_113 = vector.shape_cast %reduce_sum3A_112 : vector<128xf32> to vector<1x128xf32>
    %eq3A_114 = arith.constant 9 : i32
    %eq3A_115 = vector.broadcast %eq3A_114 : i32 to vector<10000x1xi32>
    %eq3A_116 = arith.cmpi eq, %get3A_25, %eq3A_115 : vector<10000x1xi32>
    %convert_element_type3A_117 = arith.extui %eq3A_116 : vector<10000x1xi1> to vector<10000x1xi32>
    %convert_element_type3A_118 = arith.sitofp %convert_element_type3A_117 : vector<10000x1xi32> to vector<10000x1xf32>
    %mul3A_119 = vector.broadcast %convert_element_type3A_118 : vector<10000x1xf32> to vector<10000x128xf32>
    %mul3A_120 = arith.mulf %mul3A_22, %mul3A_119 : vector<10000x128xf32>
    %reduce_sum3A_121 = arith.constant dense<0.000000e+00> : vector<128xf32>
    %reduce_sum3A_122 = vector.multi_reduction <add>, %mul3A_120, %reduce_sum3A_121 [0] : vector<10000x128xf32> to vector<128xf32>
    %broadcast_in_dim3A_123 = vector.shape_cast %reduce_sum3A_122 : vector<128xf32> to vector<1x128xf32>
    %eq3A_124 = arith.constant 10 : i32
    %eq3A_125 = vector.broadcast %eq3A_124 : i32 to vector<10000x1xi32>
    %eq3A_126 = arith.cmpi eq, %get3A_25, %eq3A_125 : vector<10000x1xi32>
    %convert_element_type3A_127 = arith.extui %eq3A_126 : vector<10000x1xi1> to vector<10000x1xi32>
    %convert_element_type3A_128 = arith.sitofp %convert_element_type3A_127 : vector<10000x1xi32> to vector<10000x1xf32>
    %mul3A_129 = vector.broadcast %convert_element_type3A_128 : vector<10000x1xf32> to vector<10000x128xf32>
    %mul3A_130 = arith.mulf %mul3A_22, %mul3A_129 : vector<10000x128xf32>
    %reduce_sum3A_131 = arith.constant dense<0.000000e+00> : vector<128xf32>
    %reduce_sum3A_132 = vector.multi_reduction <add>, %mul3A_130, %reduce_sum3A_131 [0] : vector<10000x128xf32> to vector<128xf32>
    %broadcast_in_dim3A_133 = vector.shape_cast %reduce_sum3A_132 : vector<128xf32> to vector<1x128xf32>
    %eq3A_134 = arith.constant 11 : i32
    %eq3A_135 = vector.broadcast %eq3A_134 : i32 to vector<10000x1xi32>
    %eq3A_136 = arith.cmpi eq, %get3A_25, %eq3A_135 : vector<10000x1xi32>
    %convert_element_type3A_137 = arith.extui %eq3A_136 : vector<10000x1xi1> to vector<10000x1xi32>
    %convert_element_type3A_138 = arith.sitofp %convert_element_type3A_137 : vector<10000x1xi32> to vector<10000x1xf32>
    %mul3A_139 = vector.broadcast %convert_element_type3A_138 : vector<10000x1xf32> to vector<10000x128xf32>
    %mul3A_140 = arith.mulf %mul3A_22, %mul3A_139 : vector<10000x128xf32>
    %reduce_sum3A_141 = arith.constant dense<0.000000e+00> : vector<128xf32>
    %reduce_sum3A_142 = vector.multi_reduction <add>, %mul3A_140, %reduce_sum3A_141 [0] : vector<10000x128xf32> to vector<128xf32>
    %broadcast_in_dim3A_143 = vector.shape_cast %reduce_sum3A_142 : vector<128xf32> to vector<1x128xf32>
    %eq3A_144 = arith.constant 12 : i32
    %eq3A_145 = vector.broadcast %eq3A_144 : i32 to vector<10000x1xi32>
    %eq3A_146 = arith.cmpi eq, %get3A_25, %eq3A_145 : vector<10000x1xi32>
    %convert_element_type3A_147 = arith.extui %eq3A_146 : vector<10000x1xi1> to vector<10000x1xi32>
    %convert_element_type3A_148 = arith.sitofp %convert_element_type3A_147 : vector<10000x1xi32> to vector<10000x1xf32>
    %mul3A_149 = vector.broadcast %convert_element_type3A_148 : vector<10000x1xf32> to vector<10000x128xf32>
    %mul3A_150 = arith.mulf %mul3A_22, %mul3A_149 : vector<10000x128xf32>
    %reduce_sum3A_151 = arith.constant dense<0.000000e+00> : vector<128xf32>
    %reduce_sum3A_152 = vector.multi_reduction <add>, %mul3A_150, %reduce_sum3A_151 [0] : vector<10000x128xf32> to vector<128xf32>
    %broadcast_in_dim3A_153 = vector.shape_cast %reduce_sum3A_152 : vector<128xf32> to vector<1x128xf32>
    %eq3A_154 = arith.constant 13 : i32
    %eq3A_155 = vector.broadcast %eq3A_154 : i32 to vector<10000x1xi32>
    %eq3A_156 = arith.cmpi eq, %get3A_25, %eq3A_155 : vector<10000x1xi32>
    %convert_element_type3A_157 = arith.extui %eq3A_156 : vector<10000x1xi1> to vector<10000x1xi32>
    %convert_element_type3A_158 = arith.sitofp %convert_element_type3A_157 : vector<10000x1xi32> to vector<10000x1xf32>
    %mul3A_159 = vector.broadcast %convert_element_type3A_158 : vector<10000x1xf32> to vector<10000x128xf32>
    %mul3A_160 = arith.mulf %mul3A_22, %mul3A_159 : vector<10000x128xf32>
    %reduce_sum3A_161 = arith.constant dense<0.000000e+00> : vector<128xf32>
    %reduce_sum3A_162 = vector.multi_reduction <add>, %mul3A_160, %reduce_sum3A_161 [0] : vector<10000x128xf32> to vector<128xf32>
    %broadcast_in_dim3A_163 = vector.shape_cast %reduce_sum3A_162 : vector<128xf32> to vector<1x128xf32>
    %eq3A_164 = arith.constant 14 : i32
    %eq3A_165 = vector.broadcast %eq3A_164 : i32 to vector<10000x1xi32>
    %eq3A_166 = arith.cmpi eq, %get3A_25, %eq3A_165 : vector<10000x1xi32>
    %convert_element_type3A_167 = arith.extui %eq3A_166 : vector<10000x1xi1> to vector<10000x1xi32>
    %convert_element_type3A_168 = arith.sitofp %convert_element_type3A_167 : vector<10000x1xi32> to vector<10000x1xf32>
    %mul3A_169 = vector.broadcast %convert_element_type3A_168 : vector<10000x1xf32> to vector<10000x128xf32>
    %mul3A_170 = arith.mulf %mul3A_22, %mul3A_169 : vector<10000x128xf32>
    %reduce_sum3A_171 = arith.constant dense<0.000000e+00> : vector<128xf32>
    %reduce_sum3A_172 = vector.multi_reduction <add>, %mul3A_170, %reduce_sum3A_171 [0] : vector<10000x128xf32> to vector<128xf32>
    %broadcast_in_dim3A_173 = vector.shape_cast %reduce_sum3A_172 : vector<128xf32> to vector<1x128xf32>
    %eq3A_174 = arith.constant 15 : i32
    %eq3A_175 = vector.broadcast %eq3A_174 : i32 to vector<10000x1xi32>
    %eq3A_176 = arith.cmpi eq, %get3A_25, %eq3A_175 : vector<10000x1xi32>
    %convert_element_type3A_177 = arith.extui %eq3A_176 : vector<10000x1xi1> to vector<10000x1xi32>
    %convert_element_type3A_178 = arith.sitofp %convert_element_type3A_177 : vector<10000x1xi32> to vector<10000x1xf32>
    %mul3A_179 = vector.broadcast %convert_element_type3A_178 : vector<10000x1xf32> to vector<10000x128xf32>
    %mul3A_180 = arith.mulf %mul3A_22, %mul3A_179 : vector<10000x128xf32>
    %reduce_sum3A_181 = arith.constant dense<0.000000e+00> : vector<128xf32>
    %reduce_sum3A_182 = vector.multi_reduction <add>, %mul3A_180, %reduce_sum3A_181 [0] : vector<10000x128xf32> to vector<128xf32>
    %broadcast_in_dim3A_183 = vector.shape_cast %reduce_sum3A_182 : vector<128xf32> to vector<1x128xf32>
    %concatenate3A = tpu.concatenate %broadcast_in_dim3A_33, %broadcast_in_dim3A_43, %broadcast_in_dim3A_53, %broadcast_in_dim3A_63, %broadcast_in_dim3A_73, %broadcast_in_dim3A_83, %broadcast_in_dim3A_93, %broadcast_in_dim3A_103, %broadcast_in_dim3A_113, %broadcast_in_dim3A_123, %broadcast_in_dim3A_133, %broadcast_in_dim3A_143, %broadcast_in_dim3A_153, %broadcast_in_dim3A_163, %broadcast_in_dim3A_173, %broadcast_in_dim3A_183 in 0 : vector<1x128xf32>, vector<1x128xf32>, vector<1x128xf32>, vector<1x128xf32>, vector<1x128xf32>, vector<1x128xf32>, vector<1x128xf32>, vector<1x128xf32>, vector<1x128xf32>, vector<1x128xf32>, vector<1x128xf32>, vector<1x128xf32>, vector<1x128xf32>, vector<1x128xf32>, vector<1x128xf32>, vector<1x128xf32> -> vector<16x128xf32>
    %get3A_184 = arith.constant 0 : index
    %get3A_185 = arith.constant 0 : index
    %get3A_186 = vector.load %arg4[%get3A_184, %get3A_185] : memref<128x128xf32, #tpu.memory_space<vmem>>, vector<128x128xf32>
    %dot_general3A = arith.constant dense<0.000000e+00> : vector<16x128xf32>
    %dot_general3A_187 = tpu.matmul %concatenate3A, %get3A_186, %dot_general3A {dimension_numbers = #tpu.dot_dimension_numbers<[1], [0], [0], [1], [0, 0, 1, 1], [], []>, precision = #tpu.contract_precision<fp32>, transpose_lhs_hint = false} : vector<16x128xf32>, vector<128x128xf32>, vector<16x128xf32> -> vector<16x128xf32>
    %get3A_188 = arith.constant 0 : index
    %get3A_189 = arith.constant 0 : index
    %get3A_190 = vector.load %arg5[%get3A_188, %get3A_189] : memref<1x128xf32, #tpu.memory_space<vmem>>, vector<1x128xf32>
    %add3A_191 = vector.broadcast %get3A_190 : vector<1x128xf32> to vector<16x128xf32>
    %add3A_192 = arith.addf %dot_general3A_187, %add3A_191 : vector<16x128xf32>
    %swap3A = arith.constant 0 : index
    %swap3A_193 = arith.constant 0 : index
    %swap3A_194 = vector.load %arg7[%swap3A, %swap3A_193] : memref<16x128xf32, #tpu.memory_space<vmem>>, vector<16x128xf32>
    tpu.vector_store %arg7[%swap3A, %swap3A_193], %add3A_192 {strides = array<i32>} : memref<16x128xf32, #tpu.memory_space<vmem>>, vector<16x128xf32>,
    return
  }
  func.func @transform_0(%arg0: i32) -> (i32, i32) {
    %c0_i32 = arith.constant 0 : i32
    %c0_i32_0 = arith.constant 0 : i32
    %c0_i32_1 = arith.constant 0 : i32
    return %c0_i32, %c0_i32_0 : i32, i32
  }
  func.func @transform_1(%arg0: i32) -> (i32, i32) {
    %c0_i32 = arith.constant 0 : i32
    %c0_i32_0 = arith.constant 0 : i32
    %c0_i32_1 = arith.constant 0 : i32
    return %c0_i32, %c0_i32_0 : i32, i32
  }
  func.func @transform_2(%arg0: i32) -> (i32, i32) {
    %c0_i32 = arith.constant 0 : i32
    %c0_i32_0 = arith.constant 0 : i32
    %c0_i32_1 = arith.constant 0 : i32
    return %c0_i32, %c0_i32_0 : i32, i32
  }
  func.func @transform_3(%arg0: i32) -> (i32, i32) {
    %c0_i32 = arith.constant 0 : i32
    %c0_i32_0 = arith.constant 0 : i32
    %c0_i32_1 = arith.constant 0 : i32
    return %c0_i32, %c0_i32_0 : i32, i32
  }
  func.func @transform_4(%arg0: i32) -> (i32, i32) {
    %c0_i32 = arith.constant 0 : i32
    %c0_i32_0 = arith.constant 0 : i32
    %c0_i32_1 = arith.constant 0 : i32
    return %c0_i32, %c0_i32_0 : i32, i32
  }
  func.func @transform_5(%arg0: i32) -> i32 {
    %c0_i32 = arith.constant 0 : i32
    %c0_i32_0 = arith.constant 0 : i32
    return %c0_i32 : i32
  }
  func.func @transform_6(%arg0: i32) -> (i32, i32) {
    %c0_i32 = arith.constant 0 : i32
    %c0_i32_0 = arith.constant 0 : i32
    %c0_i32_1 = arith.constant 0 : i32
    return %c0_i32, %c0_i32_0 : i32, i32
  }
}

</mosaic_0001>

<sc_bundles>
// kernel: kernel.11.cloned.1.call-start
scs
__scs_entry_jumppad:
0x0: {  	(pc) =	sbr.rel $0x88, $3  }
0x1: {  	(tag) =	ssettag $0x0;
	lr =	simm.s32 $0x1  }
0x2: {  	[smem:$0x3F92] =	sst lr;
	_ =	strace $0xD0000000  }
0x3: {  	_ = 	snop  }
0x4: {  	_ = 	snop  }
0x5: {  	_ = 	snop  }
0x6: {  	_ = 	snop  }
0x7: {  	_ = 	snop  }
__scs_overlays_trampoline_lowered:
0x8: {  	[smem:$0x3FA1] =	sst s0  }
0x9: {  	[smem:$0x3FA2] =	sst s1  }
0xa: {  	[smem:$0x3FA3] =	sst s2  }
0xb: {  	[smem:$0x3FA4] =	sst s3  }
0xc: {  	[smem:$0x3FA5] =	sst s4  }
0xd: {  	[smem:$0x3FA6] =	sst s5  }
0xe: {  	[smem:$0x3FA7] =	sst s6  }
0xf: {  	[smem:$0x3FA8] =	sst s7  }
0x10: {  	[smem:$0x3FA9] =	sst s8  }
0x11: {  	[smem:$0x3FAA] =	sst s9;
	s0 =	simm.s32 @!p0 $0x0  }
0x12: {  	s1 =	sld [smem:$0x3F90];
	s0 =	simm.s32 @p0 $0x1  }
0x13: {  	[smem:$0x3FAB] =	sst s0;
	s0 =	simm.s32 @!p1 $0x0  }
0x14: {  	s2 =	sld [smem:$0x3F8F];
	s0 =	simm.s32 @p1 $0x1  }
0x15: {  	[smem:$0x3FAC] =	sst s0;
	s0 =	simm.s32 @!p2 $0x0  }
0x16: {  	s3 =	sld [smem:$0x3FDB];
	s0 =	simm.s32 @p2 $0x1  }
0x17: {  	s4 =	simm.s32 $0x1BF5;
	[smem:$0x3FAE] =	sst s0  }
0x18: {  	s0 =	sld [smem:$0x3F91];
	_ =	swait.ge [sflag:s4], $0x0  }
0x19: {  	s7 =	sld [smem:$0x3F92]  }
0x1a: {  	s8 =	sadd.s32 $0xFFFFE003, lr  }
0x1b: {  	s9 =	sadd.s32 $0xFFFFFEF7, lr;
	s5 =	simm.s32 $0xFFFFFFFF;
	p2 =	slt.u32 s8, $0xFFFFF086  }
0x1c: {  	p1 =	slt.u32 s9, $0xF7A;
	s5 =	simm.s32 @!p2 $0x0  }
0x1d: {  	s5 =	simm.s32 @p1 $0x1;
	p0 =	seq.s32 s7, s2  }
0x1e: {  	s7 =	smul.u32 @!p0 $0xF7A, s2;
	p2 =	seq.s32 @!p0 s5, $0x0  }
0x1f: {  	s9 =	smul.u32 $0xF7A, s1;
	s8 =	simm.s32 @!p0 $0x1BF5;
	p2 =	por !p2, p0  }
0x20: {  	[sflag:s8] =	ssyncset.s32 @!p0 $0xFFFFF086;
	s6 =	sadd.s32 @!p0 s3, s7;
	s7 =	simm.s32 @!p0 $0x108  }
0x21: {  	s3 =	sadd.s32 s3, s9;
	s6 =	sadd.s32 @!p0 $0x88, s6;
	s7 =	simm.s32 @p2 $0x1082  }
0x22: {  	[simem:s7], [sflag:s8] =	dma.local @!p0 [hbm:s6], $0xF7A  }
0x23: {  	s9 =	sor.u32 $0xD0000000, s2;
	s6 =	simm.s32 $0x108;
	_ =	swait.ge @!p0 [sflag:s8], $0x0  }
0x24: {  	s3 =	sadd.s32 $0x88, s3;
	s6 =	simm.s32 @!p1 $0x1082;
	[sflag:s4] =	ssyncset.s32 $0xFFFFF086  }
0x25: {  	[simem:s6], [sflag:s4] =	dma.local [hbm:s3], $0xF7A  }
0x26: {  	[smem:$0x3F92] =	sst s1;
	(tag) =	ssettag s2;
	_ =	strace s9  }
0x27: {  	s1 =	sld [smem:$0x3FA2]  }
0x28: {  	s2 =	sld [smem:$0x3FA3]  }
0x29: {  	s4 =	sld [smem:$0x3FA5]  }
0x2a: {  	p0 =	seq.s32 s5, $0x0;
	s5 =	sld [smem:$0x3FA6]  }
0x2b: {  	s6 =	sld [smem:$0x3FA7]  }
0x2c: {  	s7 =	sld [smem:$0x3FA8]  }
0x2d: {  	s3 =	simm.s32 $0x108;
	s8 =	sld [smem:$0x3FA9]  }
0x2e: {  	s3 =	simm.s32 @!p0 $0x1082;
	s9 =	sld [smem:$0x3FAA]  }
0x2f: {  	lr =	sadd.s32 s0, s3;
	s0 =	sld [smem:$0x3FA1]  }
0x30: {  	s3 =	sld [smem:$0x3FA4]  }
0x31: {  	[smem:$0x3FAD] =	sst s10  }
0x32: {  	s10 =	sld [smem:$0x3FAB];
	_ =	sdelay $0x3  }
0x33: {  	p0 =	seq.s32 s10, $0x1;
	s10 =	sld [smem:$0x3FAD];
	_ =	sdelay $0x3  }
0x34: {  	[smem:$0x3FAD] =	sst s10  }
0x35: {  	s10 =	sld [smem:$0x3FAC];
	_ =	sdelay $0x3  }
0x36: {  	p1 =	seq.s32 s10, $0x1;
	s10 =	sld [smem:$0x3FAD];
	_ =	sdelay $0x3  }
0x37: {  	[smem:$0x3FAD] =	sst s10  }
0x38: {  	s10 =	sld [smem:$0x3FAE]  }
0x39: {  	_ = 	snop;
	(pc) =	sbr.ind lr, $3  }
0x3a: {  	_ = 	snop  }
0x3b: {  	_ = 	snop  }
0x3c: {  	p2 =	seq.s32 s10, $0x1;
	s10 =	sld [smem:$0x3FAD]  }
0x3d: {  	_ =	shalt  }
0x3e: {  	_ =	shalt  }
0x3f: {  	_ =	shalt  }
0x40: {  	_ =	shalt  }
0x41: {  	_ =	shalt  }
0x42: {  	_ =	shalt  }
0x43: {  	_ =	shalt  }
0x44: {  	_ =	shalt  }
0x45: {  	_ =	shalt  }
0x46: {  	_ =	shalt  }
0x47: {  	_ =	shalt  }
0x48: {  	_ =	shalt  }
0x49: {  	_ =	shalt  }
0x4a: {  	_ =	shalt  }
0x4b: {  	_ =	shalt  }
0x4c: {  	_ =	shalt  }
0x4d: {  	_ =	shalt  }
0x4e: {  	_ =	shalt  }
0x4f: {  	_ =	shalt  }
0x50: {  	_ =	shalt  }
0x51: {  	_ =	shalt  }
0x52: {  	_ =	shalt  }
0x53: {  	_ =	shalt  }
0x54: {  	_ =	shalt  }
0x55: {  	_ =	shalt  }
0x56: {  	_ =	shalt  }
0x57: {  	_ =	shalt  }
0x58: {  	_ =	shalt  }
0x59: {  	_ =	shalt  }
0x5a: {  	_ =	shalt  }
0x5b: {  	_ =	shalt  }
0x5c: {  	_ =	shalt  }
0x5d: {  	_ =	shalt  }
0x5e: {  	_ =	shalt  }
0x5f: {  	_ =	shalt  }
0x60: {  	_ =	shalt  }
0x61: {  	_ =	shalt  }
0x62: {  	_ =	shalt  }
0x63: {  	_ =	shalt  }
0x64: {  	_ =	shalt  }
0x65: {  	_ =	shalt  }
0x66: {  	_ =	shalt  }
0x67: {  	_ =	shalt  }
0x68: {  	_ =	shalt  }
0x69: {  	_ =	shalt  }
0x6a: {  	_ =	shalt  }
0x6b: {  	_ =	shalt  }
0x6c: {  	_ =	shalt  }
0x6d: {  	_ =	shalt  }
0x6e: {  	_ =	shalt  }
0x6f: {  	_ =	shalt  }
0x70: {  	_ =	shalt  }
0x71: {  	_ =	shalt  }
0x72: {  	_ =	shalt  }
0x73: {  	_ =	shalt  }
0x74: {  	_ =	shalt  }
0x75: {  	_ =	shalt  }
0x76: {  	_ =	shalt  }
0x77: {  	_ =	shalt  }
0x78: {  	_ =	shalt  }
0x79: {  	_ =	shalt  }
0x7a: {  	_ =	shalt  }
0x7b: {  	_ =	shalt  }
0x7c: {  	_ =	shalt  }
0x7d: {  	_ =	shalt  }
0x7e: {  	_ =	shalt  }
0x7f: {  	_ =	shalt  }
0x80: {  	_ =	shalt  }
0x81: {  	_ =	shalt  }
0x82: {  	_ =	shalt  }
0x83: {  	_ =	shalt  }
0x84: {  	_ =	shalt  }
0x85: {  	_ =	shalt  }
0x86: {  	_ =	shalt  }
0x87: {  	_ =	shalt  }
.Lfunc_end0:
.L_simem_size_0:
called_computation.1_lowered:
.L_overlay_start_0:
0x88: {  	s2 =	sld [smem:$0x3FD9]  }
0x89: {  	s3 =	sld [smem:$0x3FFE];
	_ =	sdelay $0x1  }
0x8a: {  	s1 =	srdreg.scid  }
0x8b: {  	s0 =	sand.u32 $0x1, s1  }
0x8c: {  	s16 =	sshll.u32 s0, $0xA;
	s2 =	sadd.s32 s3, s2  }
0x8d: {  	s2 =	sadd.s32 s2, s16  }
0x8e: {  	[smem:$0x3FB9] =	sst s2  }
0x8f: {  	_ = 	snop  }
0x90: {  	(tm) =	ssettm $0x1  }
0x91: {  	s17 =	sld [smem:$0x3FFB];
	_ =	sdelay $0x3  }
0x92: {  	_ =	strace s17  }
0x93: {  	s2 =	sld [smem:$0x3FFC];
	_ =	sdelay $0x3  }
0x94: {  	_ =	strace s2  }
0x95: {  	s2 =	sld [smem:$0x3FFD];
	_ =	sdelay $0x3  }
0x96: {  	_ =	strace s2  }
0x97: {  	_ =	strace $0x8FFFFFFF  }
0x98: {  	s18 =	sld [smem:$0x3FDB];
	_ =	sdelay $0x1  }
0x99: {  	s19 =	simm.s32 $_scs_section_size  }
0x9a: {  	s4 =	simm.s32 $_size__tile_overlayer_lowered;
	s5 =	simm.s32 $_tile_overlayer_lowered  }
0x9b: {  	s22 =	simm.s32 $0x1BFF;
	s21 =	sshll.u32 s5, $0x1;
	s2 =	sadd.s32 s19, s18  }
0x9c: {  	s6 =	simm.s32 $0x0;
	s20 =	sshll.u32 s4, $0x1;
	s4 =	sadd.s32 s21, s2  }
0x9d: {  	[timem:s6], [sflag:s22] =	dma.local [hbm:s4], s20  }
0x9e: {  	_ =	swait.ge [sflag:s22], s20  }
0x9f: {  	s3 =	ssub.s32 $0x0, s20;
	[sflag:s22] =	ssyncset.done $0x0  }
0xa0: {  	[sflag:s22] =	ssyncadd.s32 s3;
	_ =	sdelay $0x1  }
0xa1: {  	s23 =	simm.s32 $0x1B8B  }
0xa2: {  	_ =	swait.ge [sflag:s23], $0x1  }
0xa3: {  	[sflag:s23] =	ssyncset.done $0x0  }
0xa4: {  	s25 =	simm.s32 $0x1B8E;
	s24 =	sld [smem:$0x3FFE];
	[sflag:s23] =	ssyncadd.s32 $0xFFFFFFFF  }
0xa5: {  	s26 =	simm.s32 $execute0_lowered;
	[smem:$0x3FD2] =	sst s25  }
0xa6: {  	s4 =	sshll.u32 s26, $0x1;
	_ =	strace $0x80000049;
	[dreg:$0x1] =	wrdreg $0xFFFFFFFF  }
0xa7: {  	s28 =	simm.s32 $_size_execute0_lowered;
	s2 =	sadd.s32 s2, s4;
	[dreg:$0x0] =	wrdreg $0x0  }
0xa8: {  	s4 =	sshll.u32 s28, $0x1;
	[dreg:$0x2] =	wrdreg s2  }
0xa9: {  	[dreg:$0x3] =	wrdreg s4  }
0xaa: {  	[dreg:$0x4] =	wrdreg $0xC0  }
0xab: {  	_ =	task [dreg:s6], $0x5FFFF  }
0xac: {  	[dreg:$0x1] =	wrdreg $0xFFFFFFFF  }
0xad: {  	[dreg:$0x0] =	wrdreg $0x60  }
0xae: {  	[dreg:$0x2] =	wrdreg s24  }
0xaf: {  	[dreg:$0x3] =	wrdreg $0x88000  }
0xb0: {  	[dreg:$0x4] =	wrdreg $0x9  }
0xb1: {  	_ =	task.clear_ibuf [dreg:s6], $0x5FFFF;
	_ =	strace $0x90000049  }
0xb2: {  	s29 =	simm.s32 $0x9;
	_ =	strace $0x8000004B  }
0xb3: {  	_ =	swait.ge [sflag:s29], $0x1  }
0xb4: {  	[sflag:s29] =	ssyncadd.s32 $0xFFFFFFFF  }
0xb5: {  	_ =	strace $0x9000004B  }
0xb6: {  	_ =	sfence  }
0xb7: {  	s30 =	sld [smem:$0x0];
	_ =	sdelay $0x2  }
0xb8: {  	s31 =	sshll.u32 s1, $0xD;
	s1 =	sshrl.u32 s1, $0x2  }
0xb9: {  	s3 =	sand.u32 $0x4000, s31;
	s1 =	sadd.s32 s1, s30  }
0xba: {  	s0 =	sor.u32 s3, s0;
	s1 =	sshll.u32 s1, $0x11  }
0xbb: {  	s0 =	sor.u32 s1, s0  }
0xbc: {  	s0 =	sadd.s32 $0x8F2B, s0  }
0xbd: {  	[sflag:s0] =	ssyncadd.remote.s32 $0x1  }
0xbe: {  	_ =	sfence.sel $0xFFFF  }
0xbf: {  	[dreg:$0x0] =	wrdreg $0xFFFFFFFF;
	(pc) =	sbr.abs _section_cstart, $3  }
0xc0: {  	[dreg:$0x1] =	wrdreg $0xFFFFFFFF  }
0xc1: {  	_ =	task.clear_ibuf [dreg:s6], $0x2FFFF;
	_ =	strace $0x9FFFFFFF  }
0xc2: {  	(tm) =	ssettm $0x7FFFFFFF  }
0xc3: {  	_ =	shalt  }
tec
execute0_lowered:
.L_overlay_start_1:
0x0: {  	(tag) =	ssettag $0x1  }
0x1: {  	s0 =	rddreg [dreg:$0x0]  }
0x2: {  	s2 =	rddreg [dreg:$0x1]  }
0x3: {  	s8 =	stileid.u32;
	s1 =	srdreg.scid;
	s3 =	simm.s32 $0x0  }
0x4: {  	s28 =	simm.s32 $0x180;
	s29 =	simm.s32 $0x500;
	s30 =	simm.s32 $0x200  }
0x5: {  	s31 =	simm.s32 $0x580;
	s12 =	simm.s32 $0x380;
	s5 =	smul.u32 $0x280, s8  }
0x6: {  	s13 =	simm.s32 $0x700;
	s14 =	simm.s32 $0x780;
	s7 =	smul.u32 $0xA00, s8  }
0x7: {  	s15 =	simm.s32 $0x0;
	s1 =	sand.u32 $0x1, s1;
	s8 =	smul.u32 $0x50000, s8  }
0x8: {  	[smem:$0x7FF] =	sst s3;
	s4 =	sadd.s32 $0x3200, s0;
	s6 =	smul.u32 $0x2800, s1  }
0x9: {  	_ =	strace $0x8000004A;
	s17 =	ssub.s32 $0x2, s1;
	s1 =	smul.u32 $0x500, s1  }
0xa: {  	s7 =	sadd.s32 s7, s0;
	s9 =	sshrl.u32 s17, $0x1;
	s18 =	sshrl.u32 s8, $0x2  }
0xb: {  	s5 =	sadd.s32 s6, s5;
	s6 =	ssub.s32 s17, s9;
	s10 =	sadd.s32 s18, s2  }
0xc: {  	s1 =	sadd.s32 s1, s7;
	s18 =	simm.s32 $0x800;
	s7 =	simm.s32 $0x680  }
0xd: {  	s5 =	sshll.u32 s5, $0x4;
	s20 =	smax.u32 s6, $0x1;
	[dreg:$0x3] =	wrdreg s10  }
0xe: {  	s11 =	sadd.s32 $0x4000, s10;
	s21 =	sadd.s32 $0x8000, s10;
	[dreg:$0x5] =	wrdreg s20  }
0xf: {  	s22 =	sadd.s32 $0xC000, s10;
	s23 =	sadd.s32 $0x10000, s10;
	[dreg:$0x7] =	wrdreg s21  }
0x10: {  	s16 =	sadd.s32 $0x34400, s1;
	s17 =	sadd.s32 $0x2A400, s1;
	[dreg:$0x8] =	wrdreg s22  }
0x11: {  	s1 =	simm.s32 $0x600;
	s0 =	sadd.s32 s5, s0;
	[dreg:$0x9] =	wrdreg s23  }
0x12: {  	s6 =	simm.s32 $0x300;
	[dreg:$0x6] =	wrdreg s11;
	s19 =	sadd.s32 $0x3E400, s0  }
0x13: {  	s20 =	simm.s32 $0x400;
	s24 =	sadd.s32 $0x3EC00, s0;
	[dreg:$0x4] =	wrdreg s19  }
0x14: {  	s21 =	simm.s32 $0x80;
	s25 =	sadd.s32 $0x3F400, s0;
	[dreg:$0xa] =	wrdreg s24  }
0x15: {  	s22 =	simm.s32 $0x4800;
	s26 =	sadd.s32 $0x3FC00, s0;
	[dreg:$0xb] =	wrdreg s25  }
0x16: {  	s23 =	simm.s32 $0x1;
	s0 =	sadd.s32 $0x40400, s0;
	[dreg:$0xc] =	wrdreg s26  }
0x17: {  	[dreg:$0xd] =	wrdreg s0;
	s19 =	simm.s32 $0x3;
	s24 =	simm.s32 $0x100  }
0x18: {  	v0 =	vimm.f32 $0.0e+00;
	s25 =	simm.s32 $0x2;
	s26 =	simm.s32 $0x480;
	s0 =	simm.s32 $0x280  }
.LBB2_1:
0x19: {  	s8 =	simm.s32 $0x0;
	s9 =	simm.s32 $0x200  }
.LBB2_2:
0x1a: {  	p0 =	sne.s32 s9, $0xFE00;
	[tilespmem:s8+$0x870] =	vst v0  }
0x1b: {  	[tilespmem:s8+$0x800] =	vst v0  }
0x1c: {  	[tilespmem:s8+$0x810] =	vst v0  }
.Ltmp0:
0x1d: {  	[tilespmem:s8+$0x820] =	vst v0;
	(pc) =	sbr.rel @p0 .LBB2_2-.Ltmp0, $4  }
0x1e: {  	[tilespmem:s8+$0x830] =	vst v0  }
0x1f: {  	[tilespmem:s8+$0x840] =	vst v0  }
0x20: {  	[tilespmem:s8+$0x850] =	vst v0  }
0x21: {  	[tilespmem:s8+$0x860] =	vst v0;
	s8 =	sshra.s32 s9, $0x2;
	s9 =	sadd.s32 $0x200, s9  }
0x22: {  	[tilespmem:s8+$0x870] =	vst v0  }
0x23: {  	[tilespmem:s8+$0x800] =	vst v0  }
0x24: {  	[tilespmem:s8+$0x810] =	vst v0  }
0x25: {  	[tilespmem:s8+$0x820] =	vst v0  }
0x26: {  	[tilespmem:s8+$0x830] =	vst v0  }
0x27: {  	[tilespmem:s8+$0x840] =	vst v0  }
0x28: {  	[tilespmem:s8+$0x850] =	vst v0  }
0x29: {  	[tilespmem:s8+$0x860] =	vst v0  }
0x2a: {  	[spmem:s10] =	stream.linear.scatter [tilespmem:s18], [sflag:$0x3], $0x4000, $0x38;
	[tilespmem:$0x1C800] =	vst v63  }
0x2b: {  	_ =	swait.ge [sflag:s19], $0x4000  }
0x2c: {  	[sflag:s19] =	ssyncset.done $0x0  }
0x2d: {  	[sflag:s19] =	ssyncadd.s32 $0xFFFFC000  }
0x2e: {  	[spmem:s11] =	stream.linear.scatter [tilespmem:s18], [sflag:$0x3], $0x4000, $0x38;
	[tilespmem:$0x1C800] =	vst v63  }
0x2f: {  	_ =	swait.ge [sflag:s19], $0x4000  }
0x30: {  	[sflag:s19] =	ssyncset.done $0x0  }
0x31: {  	s5 =	rddreg [dreg:$0x7];
	[sflag:s19] =	ssyncadd.s32 $0xFFFFC000  }
0x32: {  	[spmem:s5] =	stream.linear.scatter [tilespmem:s18], [sflag:$0x3], $0x4000, $0x38;
	[tilespmem:$0x1C800] =	vst v63  }
0x33: {  	_ =	swait.ge [sflag:s19], $0x4000  }
0x34: {  	[sflag:s19] =	ssyncset.done $0x0  }
0x35: {  	s8 =	rddreg [dreg:$0x8];
	[sflag:s19] =	ssyncadd.s32 $0xFFFFC000  }
0x36: {  	[spmem:s8] =	stream.linear.scatter [tilespmem:s18], [sflag:$0x3], $0x4000, $0x38;
	[tilespmem:$0x1C800] =	vst v63  }
0x37: {  	_ =	swait.ge [sflag:s19], $0x4000  }
0x38: {  	[sflag:s19] =	ssyncset.done $0x0  }
0x39: {  	s9 =	rddreg [dreg:$0x9];
	[sflag:s19] =	ssyncadd.s32 $0xFFFFC000  }
0x3a: {  	[spmem:s9] =	stream.linear.scatter [tilespmem:s18], [sflag:$0x3], $0x4000, $0x38;
	[tilespmem:$0x1C800] =	vst v63  }
0x3b: {  	_ =	swait.ge [sflag:s19], $0x4000  }
0x3c: {  	[sflag:s19] =	ssyncset.done $0x0  }
0x3d: {  	[sflag:s19] =	ssyncadd.s32 $0xFFFFC000  }
0x3e: {  	s10 =	sadd.s32 $0x0, s17;
	[bflag:$0x0] =	sbarrier.arrive $0xFFFF  }
0x3f: {  	[tilespmem:s3], [sflag:$0x3] =	stream.linear.gather [hbm4b:s10+s3], $0x400, $0x38;
	[tilespmem:$0x1C800] =	vst v63  }
0x40: {  	_ =	swait.ge [sflag:s19], $0x400  }
0x41: {  	[sflag:s19] =	ssyncset.done $0x0  }
0x42: {  	s11 =	sadd.s32 $0x0, s16;
	[sflag:s19] =	ssyncadd.s32 $0xFFFFFC00  }
0x43: {  	[tilespmem:s20], [sflag:$0x3] =	stream.linear.gather [hbm4b:s11+s3], $0x400, $0x38;
	[tilespmem:$0x1C800] =	vst v63  }
0x44: {  	_ =	swait.ge [sflag:s19], $0x400  }
0x45: {  	[sflag:s19] =	ssyncset.done $0x0  }
0x46: {  	[sflag:s19] =	ssyncadd.s32 $0xFFFFFC00  }
0x47: {  	[tilespmem:s18], [sflag:$0x1] =	stream.indirect.gather [hbm4b:s4+s21], $0x80, s3, s21, $0xb8;
	[tilespmem:$0x1C800] =	vst v63  }
0x48: {  	_ = 	snop  }
0x49: {  	[tilespmem:s22], [sflag:$0x2] =	stream.indirect.gather [hbm4b:s4+s21], $0x80, s21, s21, $0xb8;
	[tilespmem:$0x1C800] =	vst v63  }
0x4a: {  	_ =	swait.ge [sflag:s23], $0x4000  }
0x4b: {  	[sflag:s23] =	ssyncset.done $0x0  }
0x4c: {  	[sflag:s23] =	ssyncadd.s32 $0xFFFFC000  }
0x4d: {  	[spmem:s2] =	stream.indirect.scatter.add.f32 [tilespmem:s18], [sflag:$0x3], $0x80, s20, s21, $0xb8;
	[tilespmem:$0x1C800] =	vst v63  }
0x4e: {  	_ =	swait.ge [sflag:s19], $0x4000  }
0x4f: {  	[sflag:s19] =	ssyncset.done $0x0  }
0x50: {  	[sflag:s19] =	ssyncadd.s32 $0xFFFFC000  }
0x51: {  	[tilespmem:s18], [sflag:$0x1] =	stream.indirect.gather [hbm4b:s4+s21], $0x80, s24, s21, $0xb8;
	[tilespmem:$0x1C800] =	vst v63  }
0x52: {  	_ =	swait.ge [sflag:s25], $0x4000  }
0x53: {  	[sflag:s25] =	ssyncset.done $0x0  }
0x54: {  	[sflag:s25] =	ssyncadd.s32 $0xFFFFC000  }
0x55: {  	[spmem:s2] =	stream.indirect.scatter.add.f32 [tilespmem:s22], [sflag:$0x3], $0x80, s26, s21, $0xb8;
	[tilespmem:$0x1C800] =	vst v63  }
0x56: {  	_ =	swait.ge [sflag:s19], $0x4000  }
0x57: {  	[sflag:s19] =	ssyncset.done $0x0  }
0x58: {  	[sflag:s19] =	ssyncadd.s32 $0xFFFFC000  }
0x59: {  	[tilespmem:s22], [sflag:$0x2] =	stream.indirect.gather [hbm4b:s4+s21], $0x80, s28, s21, $0xb8;
	[tilespmem:$0x1C800] =	vst v63  }
0x5a: {  	_ =	swait.ge [sflag:s23], $0x4000  }
0x5b: {  	[sflag:s23] =	ssyncset.done $0x0  }
0x5c: {  	[sflag:s23] =	ssyncadd.s32 $0xFFFFC000  }
0x5d: {  	[spmem:s2] =	stream.indirect.scatter.add.f32 [tilespmem:s18], [sflag:$0x3], $0x80, s29, s21, $0xb8;
	[tilespmem:$0x1C800] =	vst v63  }
0x5e: {  	_ =	swait.ge [sflag:s19], $0x4000  }
0x5f: {  	[sflag:s19] =	ssyncset.done $0x0  }
0x60: {  	[sflag:s19] =	ssyncadd.s32 $0xFFFFC000  }
0x61: {  	[tilespmem:s18], [sflag:$0x1] =	stream.indirect.gather [hbm4b:s4+s21], $0x80, s30, s21, $0xb8;
	[tilespmem:$0x1C800] =	vst v63  }
0x62: {  	_ =	swait.ge [sflag:s25], $0x4000  }
0x63: {  	[sflag:s25] =	ssyncset.done $0x0  }
0x64: {  	[sflag:s25] =	ssyncadd.s32 $0xFFFFC000  }
0x65: {  	[spmem:s2] =	stream.indirect.scatter.add.f32 [tilespmem:s22], [sflag:$0x3], $0x80, s31, s21, $0xb8;
	[tilespmem:$0x1C800] =	vst v63  }
0x66: {  	_ =	swait.ge [sflag:s19], $0x4000  }
0x67: {  	[sflag:s19] =	ssyncset.done $0x0  }
0x68: {  	[sflag:s19] =	ssyncadd.s32 $0xFFFFC000  }
0x69: {  	[tilespmem:s22], [sflag:$0x2] =	stream.indirect.gather [hbm4b:s4+s21], $0x80, s0, s21, $0xb8;
	[tilespmem:$0x1C800] =	vst v63  }
0x6a: {  	_ =	swait.ge [sflag:s23], $0x4000  }
0x6b: {  	[sflag:s23] =	ssyncset.done $0x0  }
0x6c: {  	[sflag:s23] =	ssyncadd.s32 $0xFFFFC000  }
0x6d: {  	[spmem:s2] =	stream.indirect.scatter.add.f32 [tilespmem:s18], [sflag:$0x3], $0x80, s1, s21, $0xb8;
	[tilespmem:$0x1C800] =	vst v63  }
0x6e: {  	_ =	swait.ge [sflag:s19], $0x4000  }
0x6f: {  	[sflag:s19] =	ssyncset.done $0x0  }
0x70: {  	[sflag:s19] =	ssyncadd.s32 $0xFFFFC000  }
0x71: {  	[tilespmem:s18], [sflag:$0x1] =	stream.indirect.gather [hbm4b:s4+s21], $0x80, s6, s21, $0xb8;
	[tilespmem:$0x1C800] =	vst v63  }
0x72: {  	_ =	swait.ge [sflag:s25], $0x4000  }
0x73: {  	[sflag:s25] =	ssyncset.done $0x0  }
0x74: {  	[sflag:s25] =	ssyncadd.s32 $0xFFFFC000  }
0x75: {  	[spmem:s2] =	stream.indirect.scatter.add.f32 [tilespmem:s22], [sflag:$0x3], $0x80, s7, s21, $0xb8;
	[tilespmem:$0x1C800] =	vst v63  }
0x76: {  	_ =	swait.ge [sflag:s19], $0x4000  }
0x77: {  	[sflag:s19] =	ssyncset.done $0x0  }
0x78: {  	[sflag:s19] =	ssyncadd.s32 $0xFFFFC000  }
0x79: {  	[tilespmem:s22], [sflag:$0x2] =	stream.indirect.gather [hbm4b:s4+s21], $0x80, s12, s21, $0xb8;
	[tilespmem:$0x1C800] =	vst v63  }
0x7a: {  	_ =	swait.ge [sflag:s23], $0x4000  }
0x7b: {  	[sflag:s23] =	ssyncset.done $0x0  }
0x7c: {  	[sflag:s23] =	ssyncadd.s32 $0xFFFFC000  }
0x7d: {  	[spmem:s2] =	stream.indirect.scatter.add.f32 [tilespmem:s18], [sflag:$0x3], $0x80, s13, s21, $0xb8;
	[tilespmem:$0x1C800] =	vst v63  }
0x7e: {  	_ =	swait.ge [sflag:s19], $0x4000  }
0x7f: {  	[sflag:s19] =	ssyncset.done $0x0  }
0x80: {  	[sflag:s19] =	ssyncadd.s32 $0xFFFFC000  }
0x81: {  	_ =	swait.ge [sflag:s25], $0x4000  }
0x82: {  	[sflag:s25] =	ssyncset.done $0x0  }
0x83: {  	[sflag:s25] =	ssyncadd.s32 $0xFFFFC000  }
0x84: {  	[spmem:s2] =	stream.indirect.scatter.add.f32 [tilespmem:s22], [sflag:$0x3], $0x80, s14, s21, $0xb8;
	[tilespmem:$0x1C800] =	vst v63  }
0x85: {  	_ =	swait.ge [sflag:s19], $0x4000  }
0x86: {  	s8 =	simm.s32 $0x80;
	s9 =	simm.s32 $0x100;
	[sflag:s19] =	ssyncset.done $0x0  }
.LBB2_4:
0x87: {  	s11 =	sadd.s32 s8, s17  }
0x88: {  	[sflag:s19] =	ssyncadd.s32 $0xFFFFC000;
	s5 =	smov.u32 s9;
	s10 =	sadd.s32 $0x80, s9  }
0x89: {  	[tilespmem:s3], [sflag:$0x3] =	stream.linear.gather [hbm4b:s11+s3], $0x400, $0x38;
	[tilespmem:$0x1C800] =	vst v63  }
0x8a: {  	p0 =	sne.s32 s9, $0x480;
	_ =	swait.ge [sflag:s19], $0x400  }
0x8b: {  	[sflag:s19] =	ssyncset.done $0x0  }
0x8c: {  	s9 =	sadd.s32 s8, s16;
	s8 =	smov.u32 s5;
	[sflag:s19] =	ssyncadd.s32 $0xFFFFFC00  }
0x8d: {  	[tilespmem:s20], [sflag:$0x3] =	stream.linear.gather [hbm4b:s9+s3], $0x400, $0x38;
	[tilespmem:$0x1C800] =	vst v63  }
0x8e: {  	_ =	swait.ge [sflag:s19], $0x400  }
0x8f: {  	[sflag:s19] =	ssyncset.done $0x0  }
0x90: {  	[sflag:s19] =	ssyncadd.s32 $0xFFFFFC00  }
0x91: {  	[tilespmem:s18], [sflag:$0x1] =	stream.indirect.gather [hbm4b:s4+s21], $0x80, s3, s21, $0xb8;
	[tilespmem:$0x1C800] =	vst v63  }
0x92: {  	_ = 	snop  }
0x93: {  	[tilespmem:s22], [sflag:$0x2] =	stream.indirect.gather [hbm4b:s4+s21], $0x80, s21, s21, $0xb8;
	[tilespmem:$0x1C800] =	vst v63  }
0x94: {  	_ =	swait.ge [sflag:s23], $0x4000  }
0x95: {  	[sflag:s23] =	ssyncset.done $0x0  }
0x96: {  	[sflag:s23] =	ssyncadd.s32 $0xFFFFC000  }
0x97: {  	[spmem:s2] =	stream.indirect.scatter.add.f32 [tilespmem:s18], [sflag:$0x3], $0x80, s20, s21, $0xb8;
	[tilespmem:$0x1C800] =	vst v63  }
0x98: {  	_ =	swait.ge [sflag:s19], $0x4000  }
0x99: {  	[sflag:s19] =	ssyncset.done $0x0  }
0x9a: {  	[sflag:s19] =	ssyncadd.s32 $0xFFFFC000  }
0x9b: {  	[tilespmem:s18], [sflag:$0x1] =	stream.indirect.gather [hbm4b:s4+s21], $0x80, s24, s21, $0xb8;
	[tilespmem:$0x1C800] =	vst v63  }
0x9c: {  	_ =	swait.ge [sflag:s25], $0x4000  }
0x9d: {  	[sflag:s25] =	ssyncset.done $0x0  }
0x9e: {  	[sflag:s25] =	ssyncadd.s32 $0xFFFFC000  }
0x9f: {  	[spmem:s2] =	stream.indirect.scatter.add.f32 [tilespmem:s22], [sflag:$0x3], $0x80, s26, s21, $0xb8;
	[tilespmem:$0x1C800] =	vst v63  }
0xa0: {  	_ =	swait.ge [sflag:s19], $0x4000  }
0xa1: {  	[sflag:s19] =	ssyncset.done $0x0  }
0xa2: {  	[sflag:s19] =	ssyncadd.s32 $0xFFFFC000  }
0xa3: {  	[tilespmem:s22], [sflag:$0x2] =	stream.indirect.gather [hbm4b:s4+s21], $0x80, s28, s21, $0xb8;
	[tilespmem:$0x1C800] =	vst v63  }
0xa4: {  	_ =	swait.ge [sflag:s23], $0x4000  }
0xa5: {  	[sflag:s23] =	ssyncset.done $0x0  }
0xa6: {  	[sflag:s23] =	ssyncadd.s32 $0xFFFFC000  }
0xa7: {  	[spmem:s2] =	stream.indirect.scatter.add.f32 [tilespmem:s18], [sflag:$0x3], $0x80, s29, s21, $0xb8;
	[tilespmem:$0x1C800] =	vst v63  }
0xa8: {  	_ =	swait.ge [sflag:s19], $0x4000  }
0xa9: {  	[sflag:s19] =	ssyncset.done $0x0  }
0xaa: {  	[sflag:s19] =	ssyncadd.s32 $0xFFFFC000  }
0xab: {  	[tilespmem:s18], [sflag:$0x1] =	stream.indirect.gather [hbm4b:s4+s21], $0x80, s30, s21, $0xb8;
	[tilespmem:$0x1C800] =	vst v63  }
0xac: {  	_ =	swait.ge [sflag:s25], $0x4000  }
0xad: {  	[sflag:s25] =	ssyncset.done $0x0  }
0xae: {  	[sflag:s25] =	ssyncadd.s32 $0xFFFFC000  }
0xaf: {  	[spmem:s2] =	stream.indirect.scatter.add.f32 [tilespmem:s22], [sflag:$0x3], $0x80, s31, s21, $0xb8;
	[tilespmem:$0x1C800] =	vst v63  }
0xb0: {  	_ =	swait.ge [sflag:s19], $0x4000  }
0xb1: {  	[sflag:s19] =	ssyncset.done $0x0  }
0xb2: {  	[sflag:s19] =	ssyncadd.s32 $0xFFFFC000  }
0xb3: {  	[tilespmem:s22], [sflag:$0x2] =	stream.indirect.gather [hbm4b:s4+s21], $0x80, s0, s21, $0xb8;
	[tilespmem:$0x1C800] =	vst v63  }
0xb4: {  	_ =	swait.ge [sflag:s23], $0x4000  }
0xb5: {  	[sflag:s23] =	ssyncset.done $0x0  }
0xb6: {  	[sflag:s23] =	ssyncadd.s32 $0xFFFFC000  }
0xb7: {  	[spmem:s2] =	stream.indirect.scatter.add.f32 [tilespmem:s18], [sflag:$0x3], $0x80, s1, s21, $0xb8;
	[tilespmem:$0x1C800] =	vst v63  }
0xb8: {  	_ =	swait.ge [sflag:s19], $0x4000  }
0xb9: {  	[sflag:s19] =	ssyncset.done $0x0  }
0xba: {  	[sflag:s19] =	ssyncadd.s32 $0xFFFFC000  }
0xbb: {  	[tilespmem:s18], [sflag:$0x1] =	stream.indirect.gather [hbm4b:s4+s21], $0x80, s6, s21, $0xb8;
	[tilespmem:$0x1C800] =	vst v63  }
0xbc: {  	_ =	swait.ge [sflag:s25], $0x4000  }
0xbd: {  	[sflag:s25] =	ssyncset.done $0x0  }
0xbe: {  	[sflag:s25] =	ssyncadd.s32 $0xFFFFC000  }
0xbf: {  	[spmem:s2] =	stream.indirect.scatter.add.f32 [tilespmem:s22], [sflag:$0x3], $0x80, s7, s21, $0xb8;
	[tilespmem:$0x1C800] =	vst v63  }
0xc0: {  	_ =	swait.ge [sflag:s19], $0x4000  }
0xc1: {  	[sflag:s19] =	ssyncset.done $0x0  }
0xc2: {  	[sflag:s19] =	ssyncadd.s32 $0xFFFFC000  }
0xc3: {  	[tilespmem:s22], [sflag:$0x2] =	stream.indirect.gather [hbm4b:s4+s21], $0x80, s12, s21, $0xb8;
	[tilespmem:$0x1C800] =	vst v63  }
0xc4: {  	_ =	swait.ge [sflag:s23], $0x4000  }
0xc5: {  	[sflag:s23] =	ssyncset.done $0x0  }
0xc6: {  	[sflag:s23] =	ssyncadd.s32 $0xFFFFC000  }
0xc7: {  	[spmem:s2] =	stream.indirect.scatter.add.f32 [tilespmem:s18], [sflag:$0x3], $0x80, s13, s21, $0xb8;
	[tilespmem:$0x1C800] =	vst v63  }
0xc8: {  	_ =	swait.ge [sflag:s19], $0x4000  }
0xc9: {  	[sflag:s19] =	ssyncset.done $0x0  }
0xca: {  	[sflag:s19] =	ssyncadd.s32 $0xFFFFC000  }
0xcb: {  	_ =	swait.ge [sflag:s25], $0x4000  }
.Ltmp1:
0xcc: {  	[sflag:s25] =	ssyncset.done $0x0;
	(pc) =	sbr.rel @p0 .LBB2_4-.Ltmp1, $4  }
0xcd: {  	[sflag:s25] =	ssyncadd.s32 $0xFFFFC000  }
0xce: {  	[spmem:s2] =	stream.indirect.scatter.add.f32 [tilespmem:s22], [sflag:$0x3], $0x80, s14, s21, $0xb8;
	[tilespmem:$0x1C800] =	vst v63  }
0xcf: {  	_ =	swait.ge [sflag:s19], $0x4000  }
0xd0: {  	s9 =	smov.u32 s10;
	[sflag:s19] =	ssyncset.done $0x0  }
0xd1: {  	s5 =	sadd.s32 s8, s17;
	[sflag:s19] =	ssyncadd.s32 $0xFFFFC000  }
0xd2: {  	[tilespmem:s3], [sflag:$0x3] =	stream.linear.gather [hbm4b:s5+s3], $0x400, $0x38;
	[tilespmem:$0x1C800] =	vst v63  }
0xd3: {  	_ =	swait.ge [sflag:s19], $0x400  }
0xd4: {  	[sflag:s19] =	ssyncset.done $0x0  }
0xd5: {  	s9 =	sadd.s32 s8, s16;
	[sflag:s19] =	ssyncadd.s32 $0xFFFFFC00  }
0xd6: {  	[tilespmem:s20], [sflag:$0x3] =	stream.linear.gather [hbm4b:s9+s3], $0x400, $0x38;
	[tilespmem:$0x1C800] =	vst v63  }
0xd7: {  	_ =	swait.ge [sflag:s19], $0x400  }
0xd8: {  	[sflag:s19] =	ssyncset.done $0x0  }
0xd9: {  	[sflag:s19] =	ssyncadd.s32 $0xFFFFFC00  }
0xda: {  	[tilespmem:s18], [sflag:$0x1] =	stream.indirect.gather [hbm4b:s4+s21], $0x80, s3, s21, $0xb8;
	[tilespmem:$0x1C800] =	vst v63  }
0xdb: {  	_ = 	snop  }
0xdc: {  	[tilespmem:s22], [sflag:$0x2] =	stream.indirect.gather [hbm4b:s4+s21], $0x80, s21, s21, $0xb8;
	[tilespmem:$0x1C800] =	vst v63  }
0xdd: {  	_ =	swait.ge [sflag:s23], $0x4000  }
0xde: {  	[sflag:s23] =	ssyncset.done $0x0  }
0xdf: {  	[sflag:s23] =	ssyncadd.s32 $0xFFFFC000  }
0xe0: {  	[spmem:s2] =	stream.indirect.scatter.add.f32 [tilespmem:s18], [sflag:$0x3], $0x80, s20, s21, $0xb8;
	[tilespmem:$0x1C800] =	vst v63  }
0xe1: {  	_ =	swait.ge [sflag:s19], $0x4000  }
0xe2: {  	[sflag:s19] =	ssyncset.done $0x0  }
0xe3: {  	[sflag:s19] =	ssyncadd.s32 $0xFFFFC000  }
0xe4: {  	[tilespmem:s18], [sflag:$0x1] =	stream.indirect.gather [hbm4b:s4+s21], $0x80, s24, s21, $0xb8;
	[tilespmem:$0x1C800] =	vst v63  }
0xe5: {  	_ =	swait.ge [sflag:s25], $0x4000  }
0xe6: {  	[sflag:s25] =	ssyncset.done $0x0  }
0xe7: {  	[sflag:s25] =	ssyncadd.s32 $0xFFFFC000  }
0xe8: {  	[spmem:s2] =	stream.indirect.scatter.add.f32 [tilespmem:s22], [sflag:$0x3], $0x80, s26, s21, $0xb8;
	[tilespmem:$0x1C800] =	vst v63  }
0xe9: {  	_ =	swait.ge [sflag:s19], $0x4000  }
0xea: {  	[sflag:s19] =	ssyncset.done $0x0  }
0xeb: {  	[sflag:s19] =	ssyncadd.s32 $0xFFFFC000  }
0xec: {  	[tilespmem:s22], [sflag:$0x2] =	stream.indirect.gather [hbm4b:s4+s21], $0x80, s28, s21, $0xb8;
	[tilespmem:$0x1C800] =	vst v63  }
0xed: {  	_ =	swait.ge [sflag:s23], $0x4000  }
0xee: {  	[sflag:s23] =	ssyncset.done $0x0  }
0xef: {  	[sflag:s23] =	ssyncadd.s32 $0xFFFFC000  }
0xf0: {  	[spmem:s2] =	stream.indirect.scatter.add.f32 [tilespmem:s18], [sflag:$0x3], $0x80, s29, s21, $0xb8;
	[tilespmem:$0x1C800] =	vst v63  }
0xf1: {  	_ =	swait.ge [sflag:s19], $0x4000  }
0xf2: {  	[sflag:s19] =	ssyncset.done $0x0  }
0xf3: {  	[sflag:s19] =	ssyncadd.s32 $0xFFFFC000  }
0xf4: {  	[tilespmem:s18], [sflag:$0x1] =	stream.indirect.gather [hbm4b:s4+s21], $0x80, s30, s21, $0xb8;
	[tilespmem:$0x1C800] =	vst v63  }
0xf5: {  	_ =	swait.ge [sflag:s25], $0x4000  }
0xf6: {  	[sflag:s25] =	ssyncset.done $0x0  }
0xf7: {  	[sflag:s25] =	ssyncadd.s32 $0xFFFFC000  }
0xf8: {  	[spmem:s2] =	stream.indirect.scatter.add.f32 [tilespmem:s22], [sflag:$0x3], $0x80, s31, s21, $0xb8;
	[tilespmem:$0x1C800] =	vst v63  }
0xf9: {  	_ =	swait.ge [sflag:s19], $0x4000  }
0xfa: {  	[sflag:s19] =	ssyncset.done $0x0  }
0xfb: {  	[sflag:s19] =	ssyncadd.s32 $0xFFFFC000  }
0xfc: {  	[tilespmem:s22], [sflag:$0x2] =	stream.indirect.gather [hbm4b:s4+s21], $0x80, s0, s21, $0xb8;
	[tilespmem:$0x1C800] =	vst v63  }
0xfd: {  	_ =	swait.ge [sflag:s23], $0x4000  }
0xfe: {  	[sflag:s23] =	ssyncset.done $0x0  }
0xff: {  	[sflag:s23] =	ssyncadd.s32 $0xFFFFC000  }
0x100: {  	[spmem:s2] =	stream.indirect.scatter.add.f32 [tilespmem:s18], [sflag:$0x3], $0x80, s1, s21, $0xb8;
	[tilespmem:$0x1C800] =	vst v63  }
0x101: {  	_ =	swait.ge [sflag:s19], $0x4000  }
0x102: {  	[sflag:s19] =	ssyncset.done $0x0  }
0x103: {  	[sflag:s19] =	ssyncadd.s32 $0xFFFFC000  }
0x104: {  	[tilespmem:s18], [sflag:$0x1] =	stream.indirect.gather [hbm4b:s4+s21], $0x80, s6, s21, $0xb8;
	[tilespmem:$0x1C800] =	vst v63  }
0x105: {  	_ =	swait.ge [sflag:s25], $0x4000  }
0x106: {  	[sflag:s25] =	ssyncset.done $0x0  }
0x107: {  	[sflag:s25] =	ssyncadd.s32 $0xFFFFC000  }
0x108: {  	[spmem:s2] =	stream.indirect.scatter.add.f32 [tilespmem:s22], [sflag:$0x3], $0x80, s7, s21, $0xb8;
	[tilespmem:$0x1C800] =	vst v63  }
0x109: {  	_ =	swait.ge [sflag:s19], $0x4000  }
0x10a: {  	[sflag:s19] =	ssyncset.done $0x0  }
0x10b: {  	[sflag:s19] =	ssyncadd.s32 $0xFFFFC000  }
0x10c: {  	[tilespmem:s22], [sflag:$0x2] =	stream.indirect.gather [hbm4b:s4+s21], $0x80, s12, s21, $0xb8;
	[tilespmem:$0x1C800] =	vst v63  }
0x10d: {  	_ =	swait.ge [sflag:s23], $0x4000  }
0x10e: {  	[sflag:s23] =	ssyncset.done $0x0  }
0x10f: {  	[sflag:s23] =	ssyncadd.s32 $0xFFFFC000  }
0x110: {  	[spmem:s2] =	stream.indirect.scatter.add.f32 [tilespmem:s18], [sflag:$0x3], $0x80, s13, s21, $0xb8;
	[tilespmem:$0x1C800] =	vst v63  }
0x111: {  	_ =	swait.ge [sflag:s19], $0x4000  }
0x112: {  	[sflag:s19] =	ssyncset.done $0x0  }
0x113: {  	[sflag:s19] =	ssyncadd.s32 $0xFFFFC000  }
0x114: {  	_ =	swait.ge [sflag:s25], $0x4000  }
0x115: {  	[sflag:s25] =	ssyncset.done $0x0  }
0x116: {  	[sflag:s25] =	ssyncadd.s32 $0xFFFFC000  }
0x117: {  	[spmem:s2] =	stream.indirect.scatter.add.f32 [tilespmem:s22], [sflag:$0x3], $0x80, s14, s21, $0xb8;
	[tilespmem:$0x1C800] =	vst v63  }
0x118: {  	_ =	swait.ge [sflag:s19], $0x4000  }
0x119: {  	[sflag:s19] =	ssyncset.done $0x0  }
0x11a: {  	[sflag:s19] =	ssyncadd.s32 $0xFFFFC000  }
0x11b: {  	s10 =	stileid.u32;
	[bflag:$0x0] =	sbarrier.arrive $0xFFFF  }
0x11c: {  	s5 =	sshll.u32 s10, $0x6;
	s10 =	rddreg [dreg:$0x3]  }
0x11d: {  	s5 =	sor.u32 $0x1C03, s5;
	s9 =	rddreg [dreg:$0x4];
	s11 =	sshrl.u32 s10, $0x3  }
0x11e: {  	[hbm:s9], [sflag:s5] =	dma.local [spmem:s11], $0x800  }
0x11f: {  	_ =	swait.ge [sflag:s19], $0x800  }
0x120: {  	[sflag:s19] =	ssyncset.done $0x0;
	s11 =	rddreg [dreg:$0x6]  }
0x121: {  	s9 =	rddreg [dreg:$0xa];
	[sflag:s19] =	ssyncadd.s32 $0xFFFFF800;
	s8 =	sshrl.u32 s11, $0x3  }
0x122: {  	[hbm:s9], [sflag:s5] =	dma.local [spmem:s8], $0x800  }
0x123: {  	_ =	swait.ge [sflag:s19], $0x800  }
0x124: {  	[sflag:s19] =	ssyncset.done $0x0;
	s9 =	rddreg [dreg:$0x7]  }
0x125: {  	[sflag:s19] =	ssyncadd.s32 $0xFFFFF800;
	s8 =	sshrl.u32 s9, $0x3;
	s9 =	rddreg [dreg:$0xb]  }
0x126: {  	[hbm:s9], [sflag:s5] =	dma.local [spmem:s8], $0x800  }
0x127: {  	_ =	swait.ge [sflag:s19], $0x800  }
0x128: {  	[sflag:s19] =	ssyncset.done $0x0;
	s9 =	rddreg [dreg:$0x8]  }
0x129: {  	[sflag:s19] =	ssyncadd.s32 $0xFFFFF800;
	s8 =	sshrl.u32 s9, $0x3;
	s9 =	rddreg [dreg:$0xc]  }
0x12a: {  	[hbm:s9], [sflag:s5] =	dma.local [spmem:s8], $0x800  }
0x12b: {  	_ =	swait.ge [sflag:s19], $0x800  }
0x12c: {  	[sflag:s19] =	ssyncset.done $0x0;
	s9 =	rddreg [dreg:$0x9]  }
0x12d: {  	[sflag:s19] =	ssyncadd.s32 $0xFFFFF800;
	s8 =	sshrl.u32 s9, $0x3;
	s9 =	rddreg [dreg:$0xd]  }
0x12e: {  	[hbm:s9], [sflag:s5] =	dma.local [spmem:s8], $0x800  }
0x12f: {  	_ =	swait.ge [sflag:s19], $0x800  }
0x130: {  	s15 =	sadd.s32 $0x1, s15;
	s9 =	rddreg [dreg:$0x5]  }
0x131: {  	p0 =	sne.s32 s15, s9  }
.Ltmp2:
0x132: {  	_ = 	snop;
	(pc) =	sbr.rel @p0 .LBB2_1-.Ltmp2, $3  }
0x133: {  	_ =	sdelay $0x1  }
0x134: {  	[sflag:s19] =	ssyncset.done $0x0  }
0x135: {  	[sflag:s19] =	ssyncadd.s32 $0xFFFFF800  }
0x136: {  	_ =	sfence.sel $0x180000  }
0x137: {  	[bflag:$0x0] =	sbarrier.arrive $0xFFFF  }
0x138: {  	_ =	strace $0x9000004A  }
0x139: {  	s0 =	stileid.u32;
	[bflag:$0x2] =	sbarrier.arrive $0xFFFF  }
0x13a: {  	p0 =	sne.s32 s0, $0x0;
	s0 =	rddreg [dreg:$0x2]  }
0x13b: {  	s0 =	sadd.s32 @!p0 $0x100000, s0  }
0x13c: {  	[sflag:s0] =	ssyncadd.tile.s32 @!p0 $0x1;
	_ =	shalt  }
.Lfunc_end2:
_tile_overlayer_lowered:
.L_overlay_start_2:
0x13d: {  	(tag) =	ssettag $0x2  }
0x13e: {  	s0 =	rddreg [dreg:$0x0];
	s2 =	stileid.u32  }
0x13f: {  	s1 =	rddreg [dreg:$0x1];
	p0 =	sne.s32 s2, $0x0  }
0x140: {  	s3 =	rddreg [dreg:$0x2];
	[bflag:$0x3] =	sbarrier.arrive $0xFFFF;
	s2 =	simm.s32 @!p0 $0x1C03  }
0x141: {  	[timem:s3], [sflag:s2] =	dma.local @!p0 [hbm:s0], s1  }
0x142: {  	s0 =	simm.s32 @!p0 $0x3  }
0x143: {  	_ =	swait.ge @!p0 [sflag:s0], s1  }
0x144: {  	s1 =	ssub.s32 @!p0 $0x0, s1;
	[sflag:s0] =	ssyncset.done @!p0 $0x0  }
0x145: {  	[sflag:s0] =	ssyncadd.s32 @!p0 s1  }
0x146: {  	[bflag:$0x3] =	sbarrier.arrive $0xFFFF  }
0x147: {  	_ =	shalt  }

// kernel: kernel.8.cloned.1.call-start
scs
__scs_entry_jumppad:
0x0: {  	(pc) =	sbr.rel $0x88, $3  }
0x1: {  	(tag) =	ssettag $0x0;
	lr =	simm.s32 $0x1  }
0x2: {  	[smem:$0x3F92] =	sst lr;
	_ =	strace $0xD0000000  }
0x3: {  	_ = 	snop  }
0x4: {  	_ = 	snop  }
0x5: {  	_ = 	snop  }
0x6: {  	_ = 	snop  }
0x7: {  	_ = 	snop  }
__scs_overlays_trampoline_lowered:
0x8: {  	[smem:$0x3FA1] =	sst s0  }
0x9: {  	[smem:$0x3FA2] =	sst s1  }
0xa: {  	[smem:$0x3FA3] =	sst s2  }
0xb: {  	[smem:$0x3FA4] =	sst s3  }
0xc: {  	[smem:$0x3FA5] =	sst s4  }
0xd: {  	[smem:$0x3FA6] =	sst s5  }
0xe: {  	[smem:$0x3FA7] =	sst s6  }
0xf: {  	[smem:$0x3FA8] =	sst s7  }
0x10: {  	[smem:$0x3FA9] =	sst s8  }
0x11: {  	[smem:$0x3FAA] =	sst s9;
	s0 =	simm.s32 @!p0 $0x0  }
0x12: {  	s1 =	sld [smem:$0x3F90];
	s0 =	simm.s32 @p0 $0x1  }
0x13: {  	[smem:$0x3FAB] =	sst s0;
	s0 =	simm.s32 @!p1 $0x0  }
0x14: {  	s2 =	sld [smem:$0x3F8F];
	s0 =	simm.s32 @p1 $0x1  }
0x15: {  	[smem:$0x3FAC] =	sst s0;
	s0 =	simm.s32 @!p2 $0x0  }
0x16: {  	s3 =	sld [smem:$0x3FDB];
	s0 =	simm.s32 @p2 $0x1  }
0x17: {  	s4 =	simm.s32 $0x1BF5;
	[smem:$0x3FAE] =	sst s0  }
0x18: {  	s0 =	sld [smem:$0x3F91];
	_ =	swait.ge [sflag:s4], $0x0  }
0x19: {  	s7 =	sld [smem:$0x3F92]  }
0x1a: {  	s8 =	sadd.s32 $0xFFFFE003, lr  }
0x1b: {  	s9 =	sadd.s32 $0xFFFFFEF7, lr;
	s5 =	simm.s32 $0xFFFFFFFF;
	p2 =	slt.u32 s8, $0xFFFFF086  }
0x1c: {  	p1 =	slt.u32 s9, $0xF7A;
	s5 =	simm.s32 @!p2 $0x0  }
0x1d: {  	s5 =	simm.s32 @p1 $0x1;
	p0 =	seq.s32 s7, s2  }
0x1e: {  	s7 =	smul.u32 @!p0 $0xF7A, s2;
	p2 =	seq.s32 @!p0 s5, $0x0  }
0x1f: {  	s9 =	smul.u32 $0xF7A, s1;
	s8 =	simm.s32 @!p0 $0x1BF5;
	p2 =	por !p2, p0  }
0x20: {  	[sflag:s8] =	ssyncset.s32 @!p0 $0xFFFFF086;
	s6 =	sadd.s32 @!p0 s3, s7;
	s7 =	simm.s32 @!p0 $0x108  }
0x21: {  	s3 =	sadd.s32 s3, s9;
	s6 =	sadd.s32 @!p0 $0x88, s6;
	s7 =	simm.s32 @p2 $0x1082  }
0x22: {  	[simem:s7], [sflag:s8] =	dma.local @!p0 [hbm:s6], $0xF7A  }
0x23: {  	s9 =	sor.u32 $0xD0000000, s2;
	s6 =	simm.s32 $0x108;
	_ =	swait.ge @!p0 [sflag:s8], $0x0  }
0x24: {  	s3 =	sadd.s32 $0x88, s3;
	s6 =	simm.s32 @!p1 $0x1082;
	[sflag:s4] =	ssyncset.s32 $0xFFFFF086  }
0x25: {  	[simem:s6], [sflag:s4] =	dma.local [hbm:s3], $0xF7A  }
0x26: {  	[smem:$0x3F92] =	sst s1;
	(tag) =	ssettag s2;
	_ =	strace s9  }
0x27: {  	s1 =	sld [smem:$0x3FA2]  }
0x28: {  	s2 =	sld [smem:$0x3FA3]  }
0x29: {  	s4 =	sld [smem:$0x3FA5]  }
0x2a: {  	p0 =	seq.s32 s5, $0x0;
	s5 =	sld [smem:$0x3FA6]  }
0x2b: {  	s6 =	sld [smem:$0x3FA7]  }
0x2c: {  	s7 =	sld [smem:$0x3FA8]  }
0x2d: {  	s3 =	simm.s32 $0x108;
	s8 =	sld [smem:$0x3FA9]  }
0x2e: {  	s3 =	simm.s32 @!p0 $0x1082;
	s9 =	sld [smem:$0x3FAA]  }
0x2f: {  	lr =	sadd.s32 s0, s3;
	s0 =	sld [smem:$0x3FA1]  }
0x30: {  	s3 =	sld [smem:$0x3FA4]  }
0x31: {  	[smem:$0x3FAD] =	sst s10  }
0x32: {  	s10 =	sld [smem:$0x3FAB];
	_ =	sdelay $0x3  }
0x33: {  	p0 =	seq.s32 s10, $0x1;
	s10 =	sld [smem:$0x3FAD];
	_ =	sdelay $0x3  }
0x34: {  	[smem:$0x3FAD] =	sst s10  }
0x35: {  	s10 =	sld [smem:$0x3FAC];
	_ =	sdelay $0x3  }
0x36: {  	p1 =	seq.s32 s10, $0x1;
	s10 =	sld [smem:$0x3FAD];
	_ =	sdelay $0x3  }
0x37: {  	[smem:$0x3FAD] =	sst s10  }
0x38: {  	s10 =	sld [smem:$0x3FAE]  }
0x39: {  	_ = 	snop;
	(pc) =	sbr.ind lr, $3  }
0x3a: {  	_ = 	snop  }
0x3b: {  	_ = 	snop  }
0x3c: {  	p2 =	seq.s32 s10, $0x1;
	s10 =	sld [smem:$0x3FAD]  }
0x3d: {  	_ =	shalt  }
0x3e: {  	_ =	shalt  }
0x3f: {  	_ =	shalt  }
0x40: {  	_ =	shalt  }
0x41: {  	_ =	shalt  }
0x42: {  	_ =	shalt  }
0x43: {  	_ =	shalt  }
0x44: {  	_ =	shalt  }
0x45: {  	_ =	shalt  }
0x46: {  	_ =	shalt  }
0x47: {  	_ =	shalt  }
0x48: {  	_ =	shalt  }
0x49: {  	_ =	shalt  }
0x4a: {  	_ =	shalt  }
0x4b: {  	_ =	shalt  }
0x4c: {  	_ =	shalt  }
0x4d: {  	_ =	shalt  }
0x4e: {  	_ =	shalt  }
0x4f: {  	_ =	shalt  }
0x50: {  	_ =	shalt  }
0x51: {  	_ =	shalt  }
0x52: {  	_ =	shalt  }
0x53: {  	_ =	shalt  }
0x54: {  	_ =	shalt  }
0x55: {  	_ =	shalt  }
0x56: {  	_ =	shalt  }
0x57: {  	_ =	shalt  }
0x58: {  	_ =	shalt  }
0x59: {  	_ =	shalt  }
0x5a: {  	_ =	shalt  }
0x5b: {  	_ =	shalt  }
0x5c: {  	_ =	shalt  }
0x5d: {  	_ =	shalt  }
0x5e: {  	_ =	shalt  }
0x5f: {  	_ =	shalt  }
0x60: {  	_ =	shalt  }
0x61: {  	_ =	shalt  }
0x62: {  	_ =	shalt  }
0x63: {  	_ =	shalt  }
0x64: {  	_ =	shalt  }
0x65: {  	_ =	shalt  }
0x66: {  	_ =	shalt  }
0x67: {  	_ =	shalt  }
0x68: {  	_ =	shalt  }
0x69: {  	_ =	shalt  }
0x6a: {  	_ =	shalt  }
0x6b: {  	_ =	shalt  }
0x6c: {  	_ =	shalt  }
0x6d: {  	_ =	shalt  }
0x6e: {  	_ =	shalt  }
0x6f: {  	_ =	shalt  }
0x70: {  	_ =	shalt  }
0x71: {  	_ =	shalt  }
0x72: {  	_ =	shalt  }
0x73: {  	_ =	shalt  }
0x74: {  	_ =	shalt  }
0x75: {  	_ =	shalt  }
0x76: {  	_ =	shalt  }
0x77: {  	_ =	shalt  }
0x78: {  	_ =	shalt  }
0x79: {  	_ =	shalt  }
0x7a: {  	_ =	shalt  }
0x7b: {  	_ =	shalt  }
0x7c: {  	_ =	shalt  }
0x7d: {  	_ =	shalt  }
0x7e: {  	_ =	shalt  }
0x7f: {  	_ =	shalt  }
0x80: {  	_ =	shalt  }
0x81: {  	_ =	shalt  }
0x82: {  	_ =	shalt  }
0x83: {  	_ =	shalt  }
0x84: {  	_ =	shalt  }
0x85: {  	_ =	shalt  }
0x86: {  	_ =	shalt  }
0x87: {  	_ =	shalt  }
.Lfunc_end0:
.L_simem_size_0:
called_computation_lowered:
.L_overlay_start_0:
0x88: {  	s2 =	sld [smem:$0x3FD9]  }
0x89: {  	s3 =	sld [smem:$0x3FFE];
	_ =	sdelay $0x1  }
0x8a: {  	s1 =	srdreg.scid  }
0x8b: {  	s0 =	sand.u32 $0x1, s1  }
0x8c: {  	s16 =	sshll.u32 s0, $0xA;
	s2 =	sadd.s32 s3, s2  }
0x8d: {  	s2 =	sadd.s32 s2, s16  }
0x8e: {  	[smem:$0x3FB9] =	sst s2  }
0x8f: {  	_ = 	snop  }
0x90: {  	(tm) =	ssettm $0x1  }
0x91: {  	s17 =	sld [smem:$0x3FFB];
	_ =	sdelay $0x3  }
0x92: {  	_ =	strace s17  }
0x93: {  	s2 =	sld [smem:$0x3FFC];
	_ =	sdelay $0x3  }
0x94: {  	_ =	strace s2  }
0x95: {  	s2 =	sld [smem:$0x3FFD];
	_ =	sdelay $0x3  }
0x96: {  	_ =	strace s2  }
0x97: {  	_ =	strace $0x8FFFFFFF  }
0x98: {  	s18 =	sld [smem:$0x3FDB];
	_ =	sdelay $0x1  }
0x99: {  	s19 =	simm.s32 $_scs_section_size  }
0x9a: {  	s4 =	simm.s32 $_size__tile_overlayer_lowered;
	s5 =	simm.s32 $_tile_overlayer_lowered  }
0x9b: {  	s22 =	simm.s32 $0x1BFF;
	s21 =	sshll.u32 s5, $0x1;
	s2 =	sadd.s32 s19, s18  }
0x9c: {  	s6 =	simm.s32 $0x0;
	s20 =	sshll.u32 s4, $0x1;
	s4 =	sadd.s32 s21, s2  }
0x9d: {  	[timem:s6], [sflag:s22] =	dma.local [hbm:s4], s20  }
0x9e: {  	_ =	swait.ge [sflag:s22], s20  }
0x9f: {  	s3 =	ssub.s32 $0x0, s20;
	[sflag:s22] =	ssyncset.done $0x0  }
0xa0: {  	[sflag:s22] =	ssyncadd.s32 s3;
	_ =	sdelay $0x1  }
0xa1: {  	s23 =	simm.s32 $0x1B8B  }
0xa2: {  	_ =	swait.ge [sflag:s23], $0x1  }
0xa3: {  	[sflag:s23] =	ssyncset.done $0x0  }
0xa4: {  	s25 =	simm.s32 $0x1B8E;
	s24 =	sld [smem:$0x3FFE];
	[sflag:s23] =	ssyncadd.s32 $0xFFFFFFFF  }
0xa5: {  	s26 =	simm.s32 $execute0_lowered;
	[smem:$0x3FD2] =	sst s25  }
0xa6: {  	s4 =	sshll.u32 s26, $0x1;
	_ =	strace $0x80000046;
	[dreg:$0x1] =	wrdreg $0xFFFFFFFF  }
0xa7: {  	s28 =	simm.s32 $_size_execute0_lowered;
	s2 =	sadd.s32 s2, s4;
	[dreg:$0x0] =	wrdreg $0x0  }
0xa8: {  	s4 =	sshll.u32 s28, $0x1;
	[dreg:$0x2] =	wrdreg s2  }
0xa9: {  	[dreg:$0x3] =	wrdreg s4  }
0xaa: {  	[dreg:$0x4] =	wrdreg $0xC0  }
0xab: {  	_ =	task [dreg:s6], $0x5FFFF  }
0xac: {  	[dreg:$0x1] =	wrdreg $0xFFFFFFFF  }
0xad: {  	[dreg:$0x0] =	wrdreg $0x60  }
0xae: {  	[dreg:$0x2] =	wrdreg s24  }
0xaf: {  	[dreg:$0x3] =	wrdreg $0x88000  }
0xb0: {  	[dreg:$0x4] =	wrdreg $0x9  }
0xb1: {  	_ =	task.clear_ibuf [dreg:s6], $0x5FFFF;
	_ =	strace $0x90000046  }
0xb2: {  	s29 =	simm.s32 $0x9;
	_ =	strace $0x80000048  }
0xb3: {  	_ =	swait.ge [sflag:s29], $0x1  }
0xb4: {  	[sflag:s29] =	ssyncadd.s32 $0xFFFFFFFF  }
0xb5: {  	_ =	strace $0x90000048  }
0xb6: {  	_ =	sfence  }
0xb7: {  	s30 =	sld [smem:$0x0];
	_ =	sdelay $0x2  }
0xb8: {  	s31 =	sshll.u32 s1, $0xD;
	s1 =	sshrl.u32 s1, $0x2  }
0xb9: {  	s3 =	sand.u32 $0x4000, s31;
	s1 =	sadd.s32 s1, s30  }
0xba: {  	s0 =	sor.u32 s3, s0;
	s1 =	sshll.u32 s1, $0x11  }
0xbb: {  	s0 =	sor.u32 s1, s0  }
0xbc: {  	s0 =	sadd.s32 $0x8F2B, s0  }
0xbd: {  	[sflag:s0] =	ssyncadd.remote.s32 $0x1  }
0xbe: {  	_ =	sfence.sel $0xFFFF  }
0xbf: {  	[dreg:$0x0] =	wrdreg $0xFFFFFFFF;
	(pc) =	sbr.abs _section_cstart, $3  }
0xc0: {  	[dreg:$0x1] =	wrdreg $0xFFFFFFFF  }
0xc1: {  	_ =	task.clear_ibuf [dreg:s6], $0x2FFFF;
	_ =	strace $0x9FFFFFFF  }
0xc2: {  	(tm) =	ssettm $0x7FFFFFFF  }
0xc3: {  	_ =	shalt  }
tec
execute0_lowered:
.L_overlay_start_1:
0x0: {  	(tag) =	ssettag $0x1  }
0x1: {  	s0 =	rddreg [dreg:$0x0]  }
0x2: {  	s2 =	rddreg [dreg:$0x1]  }
0x3: {  	s11 =	stileid.u32;
	s1 =	srdreg.scid;
	s3 =	simm.s32 $0x0  }
0x4: {  	s28 =	simm.s32 $0x700;
	s29 =	simm.s32 $0x780;
	s30 =	simm.s32 $0x4800  }
0x5: {  	s31 =	simm.s32 $0x1;
	s12 =	simm.s32 $0x280;
	s5 =	smul.u32 $0x280, s11  }
0x6: {  	s13 =	simm.s32 $0x300;
	s14 =	simm.s32 $0x380;
	s7 =	smul.u32 $0xA00, s11  }
0x7: {  	s15 =	simm.s32 $0x0;
	s1 =	sand.u32 $0x1, s1;
	s16 =	smul.u32 $0x50000, s11  }
0x8: {  	[smem:$0x7FF] =	sst s3;
	s4 =	sadd.s32 $0x3200, s0;
	s6 =	smul.u32 $0x2800, s1  }
0x9: {  	_ =	strace $0x80000047;
	s8 =	ssub.s32 $0x2, s1;
	p0 =	seq.s32 s1, $0x1  }
0xa: {  	s1 =	simm.s32 $0x2;
	s7 =	sadd.s32 s7, s0;
	s17 =	sshrl.u32 s8, $0x1  }
0xb: {  	s5 =	sadd.s32 s6, s5;
	s6 =	sshrl.u32 s16, $0x2;
	s8 =	ssub.s32 s8, s17  }
0xc: {  	s16 =	sadd.s32 $0x34400, s7;
	s17 =	sadd.s32 $0x2A400, s7;
	s19 =	smax.u32 s8, $0x1  }
0xd: {  	s7 =	simm.s32 $0x200;
	s10 =	sadd.s32 s6, s2;
	[dreg:$0x5] =	wrdreg s19  }
0xe: {  	s5 =	sshll.u32 s5, $0x4;
	s20 =	sadd.s32 $0x4000, s10;
	[dreg:$0x3] =	wrdreg s10  }
0xf: {  	s6 =	simm.s32 $0x180;
	s21 =	sadd.s32 $0x8000, s10;
	[dreg:$0x6] =	wrdreg s20  }
0x10: {  	s0 =	sadd.s32 s5, s0;
	s22 =	sadd.s32 $0xC000, s10;
	[dreg:$0x7] =	wrdreg s21  }
0x11: {  	s23 =	sadd.s32 $0x10000, s10;
	s19 =	simm.s32 $0x3;
	[dreg:$0x8] =	wrdreg s22  }
0x12: {  	s18 =	sadd.s32 $0x3E400, s0;
	[dreg:$0x9] =	wrdreg s23;
	s24 =	sadd.s32 $0x3EC00, s0  }
0x13: {  	s25 =	sadd.s32 $0x3F400, s0;
	s26 =	sadd.s32 $0x3FC00, s0;
	[dreg:$0x4] =	wrdreg s18  }
.Ltmp0:
0x14: {  	s0 =	sadd.s32 $0x40400, s0;
	[dreg:$0xa] =	wrdreg s24;
	(pc) =	sbr.rel .LBB2_1-.Ltmp0, $4  }
0x15: {  	s20 =	simm.s32 $0x400;
	s21 =	simm.s32 $0x80;
	[dreg:$0xb] =	wrdreg s25  }
0x16: {  	s22 =	simm.s32 $0x480;
	s23 =	simm.s32 $0x500;
	[dreg:$0xc] =	wrdreg s26  }
0x17: {  	v0 =	vimm.f32 $0.0e+00;
	vm0 =	vcmask $0x300;
	[dreg:$0xd] =	wrdreg s0;
	s18 =	simm.s32 $0x800;
	s24 =	simm.s32 $0x580  }
0x18: {  	v1 =	vsel vm0, $0x3F800000, v0;
	s25 =	simm.s32 $0x600;
	s26 =	simm.s32 $0x680;
	s0 =	simm.s32 $0x100  }
.LBB2_6:
0x19: {  	s5 =	sadd.s32 s8, s17;
	[sflag:s19] =	ssyncadd.s32 $0xFFFFC000  }
0x1a: {  	[tilespmem:s3], [sflag:$0x3] =	stream.linear.gather [hbm4b:s5+s3], $0x400, $0x38;
	[tilespmem:$0x1C800] =	vst v63  }
0x1b: {  	_ =	swait.ge [sflag:s19], $0x400  }
0x1c: {  	[sflag:s19] =	ssyncset.done $0x0  }
0x1d: {  	s11 =	sadd.s32 s8, s16;
	[sflag:s19] =	ssyncadd.s32 $0xFFFFFC00  }
0x1e: {  	[tilespmem:s20], [sflag:$0x3] =	stream.linear.gather [hbm4b:s11+s3], $0x400, $0x38;
	[tilespmem:$0x1C800] =	vst v63  }
0x1f: {  	_ =	swait.ge [sflag:s19], $0x400  }
0x20: {  	[sflag:s19] =	ssyncset.done $0x0  }
0x21: {  	[sflag:s19] =	ssyncadd.s32 $0xFFFFFC00  }
0x22: {  	[tilespmem:s18], [sflag:$0x1] =	stream.indirect.gather [hbm4b:s4+s21], $0x80, s3, s21, $0xb8;
	[tilespmem:$0x1C800] =	vst v63  }
0x23: {  	_ = 	snop  }
0x24: {  	[tilespmem:s30], [sflag:$0x2] =	stream.indirect.gather [hbm4b:s4+s21], $0x80, s21, s21, $0xb8;
	[tilespmem:$0x1C800] =	vst v63  }
0x25: {  	_ =	swait.ge [sflag:s31], $0x4000  }
0x26: {  	[sflag:s31] =	ssyncset.done $0x0  }
0x27: {  	[sflag:s31] =	ssyncadd.s32 $0xFFFFC000  }
0x28: {  	[spmem:s2] =	stream.indirect.scatter.add.f32 [tilespmem:s18], [sflag:$0x3], $0x80, s20, s21, $0xb8;
	[tilespmem:$0x1C800] =	vst v63  }
0x29: {  	_ =	swait.ge [sflag:s19], $0x4000  }
0x2a: {  	[sflag:s19] =	ssyncset.done $0x0  }
0x2b: {  	[sflag:s19] =	ssyncadd.s32 $0xFFFFC000  }
0x2c: {  	[tilespmem:s18], [sflag:$0x1] =	stream.indirect.gather [hbm4b:s4+s21], $0x80, s0, s21, $0xb8;
	[tilespmem:$0x1C800] =	vst v63  }
0x2d: {  	_ =	swait.ge [sflag:s1], $0x4000  }
0x2e: {  	[sflag:s1] =	ssyncset.done $0x0  }
0x2f: {  	[sflag:s1] =	ssyncadd.s32 $0xFFFFC000  }
0x30: {  	[spmem:s2] =	stream.indirect.scatter.add.f32 [tilespmem:s30], [sflag:$0x3], $0x80, s22, s21, $0xb8;
	[tilespmem:$0x1C800] =	vst v63  }
0x31: {  	_ =	swait.ge [sflag:s19], $0x4000  }
0x32: {  	[sflag:s19] =	ssyncset.done $0x0  }
0x33: {  	[sflag:s19] =	ssyncadd.s32 $0xFFFFC000  }
0x34: {  	[tilespmem:s30], [sflag:$0x2] =	stream.indirect.gather [hbm4b:s4+s21], $0x80, s6, s21, $0xb8;
	[tilespmem:$0x1C800] =	vst v63  }
0x35: {  	_ =	swait.ge [sflag:s31], $0x4000  }
0x36: {  	[sflag:s31] =	ssyncset.done $0x0  }
0x37: {  	[sflag:s31] =	ssyncadd.s32 $0xFFFFC000  }
0x38: {  	[spmem:s2] =	stream.indirect.scatter.add.f32 [tilespmem:s18], [sflag:$0x3], $0x80, s23, s21, $0xb8;
	[tilespmem:$0x1C800] =	vst v63  }
0x39: {  	_ =	swait.ge [sflag:s19], $0x4000  }
0x3a: {  	[sflag:s19] =	ssyncset.done $0x0  }
0x3b: {  	[sflag:s19] =	ssyncadd.s32 $0xFFFFC000  }
0x3c: {  	[tilespmem:s18], [sflag:$0x1] =	stream.indirect.gather [hbm4b:s4+s21], $0x80, s7, s21, $0xb8;
	[tilespmem:$0x1C800] =	vst v63  }
0x3d: {  	_ =	swait.ge [sflag:s1], $0x4000  }
0x3e: {  	[sflag:s1] =	ssyncset.done $0x0  }
0x3f: {  	[sflag:s1] =	ssyncadd.s32 $0xFFFFC000  }
0x40: {  	[spmem:s2] =	stream.indirect.scatter.add.f32 [tilespmem:s30], [sflag:$0x3], $0x80, s24, s21, $0xb8;
	[tilespmem:$0x1C800] =	vst v63  }
0x41: {  	_ =	swait.ge [sflag:s19], $0x4000  }
0x42: {  	[sflag:s19] =	ssyncset.done $0x0  }
0x43: {  	[sflag:s19] =	ssyncadd.s32 $0xFFFFC000  }
0x44: {  	[tilespmem:s30], [sflag:$0x2] =	stream.indirect.gather [hbm4b:s4+s21], $0x80, s12, s21, $0xb8;
	[tilespmem:$0x1C800] =	vst v63  }
0x45: {  	_ =	swait.ge [sflag:s31], $0x4000  }
0x46: {  	[sflag:s31] =	ssyncset.done $0x0  }
0x47: {  	[sflag:s31] =	ssyncadd.s32 $0xFFFFC000  }
0x48: {  	[spmem:s2] =	stream.indirect.scatter.add.f32 [tilespmem:s18], [sflag:$0x3], $0x80, s25, s21, $0xb8;
	[tilespmem:$0x1C800] =	vst v63  }
0x49: {  	_ =	swait.ge [sflag:s19], $0x4000  }
0x4a: {  	[sflag:s19] =	ssyncset.done $0x0  }
0x4b: {  	[sflag:s19] =	ssyncadd.s32 $0xFFFFC000  }
0x4c: {  	[tilespmem:s18], [sflag:$0x1] =	stream.indirect.gather [hbm4b:s4+s21], $0x80, s13, s21, $0xb8;
	[tilespmem:$0x1C800] =	vst v63  }
0x4d: {  	_ =	swait.ge [sflag:s1], $0x4000  }
0x4e: {  	[sflag:s1] =	ssyncset.done $0x0  }
0x4f: {  	[sflag:s1] =	ssyncadd.s32 $0xFFFFC000  }
0x50: {  	[spmem:s2] =	stream.indirect.scatter.add.f32 [tilespmem:s30], [sflag:$0x3], $0x80, s26, s21, $0xb8;
	[tilespmem:$0x1C800] =	vst v63  }
0x51: {  	_ =	swait.ge [sflag:s19], $0x4000  }
0x52: {  	[sflag:s19] =	ssyncset.done $0x0  }
0x53: {  	[sflag:s19] =	ssyncadd.s32 $0xFFFFC000  }
0x54: {  	[tilespmem:s30], [sflag:$0x2] =	stream.indirect.gather [hbm4b:s4+s21], $0x80, s14, s21, $0xb8;
	[tilespmem:$0x1C800] =	vst v63  }
0x55: {  	_ =	swait.ge [sflag:s31], $0x4000  }
0x56: {  	[sflag:s31] =	ssyncset.done $0x0  }
0x57: {  	[sflag:s31] =	ssyncadd.s32 $0xFFFFC000  }
0x58: {  	[spmem:s2] =	stream.indirect.scatter.add.f32 [tilespmem:s18], [sflag:$0x3], $0x80, s28, s21, $0xb8;
	[tilespmem:$0x1C800] =	vst v63  }
0x59: {  	_ =	swait.ge [sflag:s19], $0x4000  }
0x5a: {  	[sflag:s19] =	ssyncset.done $0x0  }
0x5b: {  	[sflag:s19] =	ssyncadd.s32 $0xFFFFC000  }
0x5c: {  	_ =	swait.ge [sflag:s1], $0x4000  }
0x5d: {  	[sflag:s1] =	ssyncset.done $0x0  }
0x5e: {  	[sflag:s1] =	ssyncadd.s32 $0xFFFFC000  }
0x5f: {  	[spmem:s2] =	stream.indirect.scatter.add.f32 [tilespmem:s30], [sflag:$0x3], $0x80, s29, s21, $0xb8;
	[tilespmem:$0x1C800] =	vst v63  }
0x60: {  	_ =	swait.ge [sflag:s19], $0x4000  }
0x61: {  	[sflag:s19] =	ssyncset.done $0x0  }
0x62: {  	s11 =	stileid.u32;
	[sflag:s19] =	ssyncadd.s32 $0xFFFFC000  }
.LBB2_12:
0x63: {  	[bflag:$0x0] =	sbarrier.arrive $0xFFFF  }
0x64: {  	s5 =	sshll.u32 s11, $0x6;
	s10 =	rddreg [dreg:$0x3]  }
0x65: {  	s5 =	sor.u32 $0x1C03, s5;
	s9 =	rddreg [dreg:$0x4];
	s8 =	sshrl.u32 s10, $0x3  }
0x66: {  	[hbm:s9], [sflag:s5] =	dma.local [spmem:s8], $0x800  }
0x67: {  	_ =	swait.ge [sflag:s19], $0x800  }
0x68: {  	[sflag:s19] =	ssyncset.done $0x0;
	s9 =	rddreg [dreg:$0x6]  }
0x69: {  	[sflag:s19] =	ssyncadd.s32 $0xFFFFF800;
	s8 =	sshrl.u32 s9, $0x3;
	s9 =	rddreg [dreg:$0xa]  }
0x6a: {  	[hbm:s9], [sflag:s5] =	dma.local [spmem:s8], $0x800  }
0x6b: {  	_ =	swait.ge [sflag:s19], $0x800  }
0x6c: {  	[sflag:s19] =	ssyncset.done $0x0;
	s9 =	rddreg [dreg:$0x7]  }
0x6d: {  	[sflag:s19] =	ssyncadd.s32 $0xFFFFF800;
	s8 =	sshrl.u32 s9, $0x3;
	s9 =	rddreg [dreg:$0xb]  }
0x6e: {  	[hbm:s9], [sflag:s5] =	dma.local [spmem:s8], $0x800  }
0x6f: {  	_ =	swait.ge [sflag:s19], $0x800  }
0x70: {  	[sflag:s19] =	ssyncset.done $0x0;
	s9 =	rddreg [dreg:$0x8]  }
0x71: {  	[sflag:s19] =	ssyncadd.s32 $0xFFFFF800;
	s8 =	sshrl.u32 s9, $0x3;
	s9 =	rddreg [dreg:$0xc]  }
0x72: {  	[hbm:s9], [sflag:s5] =	dma.local [spmem:s8], $0x800  }
0x73: {  	_ =	swait.ge [sflag:s19], $0x800  }
0x74: {  	[sflag:s19] =	ssyncset.done $0x0;
	s9 =	rddreg [dreg:$0x9]  }
0x75: {  	[sflag:s19] =	ssyncadd.s32 $0xFFFFF800;
	s8 =	sshrl.u32 s9, $0x3;
	s9 =	rddreg [dreg:$0xd]  }
0x76: {  	[hbm:s9], [sflag:s5] =	dma.local [spmem:s8], $0x800  }
0x77: {  	_ =	swait.ge [sflag:s19], $0x800  }
0x78: {  	s15 =	sadd.s32 $0x1, s15;
	s9 =	rddreg [dreg:$0x5]  }
0x79: {  	p1 =	sne.s32 s15, s9  }
.Ltmp1:
0x7a: {  	_ = 	snop;
	(pc) =	sbr.rel @!p1 .LBB2_13-.Ltmp1, $3  }
0x7b: {  	_ =	sdelay $0x1  }
0x7c: {  	[sflag:s19] =	ssyncset.done $0x0  }
0x7d: {  	[sflag:s19] =	ssyncadd.s32 $0xFFFFF800  }
.LBB2_1:
0x7e: {  	s8 =	simm.s32 $0x0;
	s9 =	simm.s32 $0x200  }
.LBB2_2:
0x7f: {  	p1 =	sne.s32 s9, $0xFE00;
	[tilespmem:s8+$0x870] =	vst v0  }
0x80: {  	[tilespmem:s8+$0x800] =	vst v0  }
0x81: {  	[tilespmem:s8+$0x810] =	vst v0  }
.Ltmp2:
0x82: {  	[tilespmem:s8+$0x820] =	vst v0;
	(pc) =	sbr.rel @p1 .LBB2_2-.Ltmp2, $4  }
0x83: {  	[tilespmem:s8+$0x830] =	vst v0  }
0x84: {  	[tilespmem:s8+$0x840] =	vst v0  }
0x85: {  	[tilespmem:s8+$0x850] =	vst v0  }
0x86: {  	[tilespmem:s8+$0x860] =	vst v0;
	s8 =	sshra.s32 s9, $0x2;
	s9 =	sadd.s32 $0x200, s9  }
0x87: {  	[tilespmem:s8+$0x870] =	vst v0  }
0x88: {  	[tilespmem:s8+$0x800] =	vst v0  }
0x89: {  	[tilespmem:s8+$0x810] =	vst v0  }
0x8a: {  	[tilespmem:s8+$0x820] =	vst v0  }
0x8b: {  	[tilespmem:s8+$0x830] =	vst v0  }
0x8c: {  	[tilespmem:s8+$0x840] =	vst v0  }
0x8d: {  	[tilespmem:s8+$0x850] =	vst v0  }
0x8e: {  	[tilespmem:s8+$0x860] =	vst v0  }
0x8f: {  	[spmem:s10] =	stream.linear.scatter [tilespmem:s18], [sflag:$0x3], $0x4000, $0x38;
	[tilespmem:$0x1C800] =	vst v63  }
0x90: {  	_ =	swait.ge [sflag:s19], $0x4000  }
0x91: {  	[sflag:s19] =	ssyncset.done $0x0  }
0x92: {  	s5 =	rddreg [dreg:$0x6];
	[sflag:s19] =	ssyncadd.s32 $0xFFFFC000  }
0x93: {  	[spmem:s5] =	stream.linear.scatter [tilespmem:s18], [sflag:$0x3], $0x4000, $0x38;
	[tilespmem:$0x1C800] =	vst v63  }
0x94: {  	_ =	swait.ge [sflag:s19], $0x4000  }
0x95: {  	[sflag:s19] =	ssyncset.done $0x0  }
0x96: {  	s8 =	rddreg [dreg:$0x7];
	[sflag:s19] =	ssyncadd.s32 $0xFFFFC000  }
0x97: {  	[spmem:s8] =	stream.linear.scatter [tilespmem:s18], [sflag:$0x3], $0x4000, $0x38;
	[tilespmem:$0x1C800] =	vst v63  }
0x98: {  	_ =	swait.ge [sflag:s19], $0x4000  }
0x99: {  	[sflag:s19] =	ssyncset.done $0x0  }
0x9a: {  	s9 =	rddreg [dreg:$0x8];
	[sflag:s19] =	ssyncadd.s32 $0xFFFFC000  }
0x9b: {  	[spmem:s9] =	stream.linear.scatter [tilespmem:s18], [sflag:$0x3], $0x4000, $0x38;
	[tilespmem:$0x1C800] =	vst v63  }
0x9c: {  	_ =	swait.ge [sflag:s19], $0x4000  }
0x9d: {  	[sflag:s19] =	ssyncset.done $0x0  }
0x9e: {  	s10 =	rddreg [dreg:$0x9];
	[sflag:s19] =	ssyncadd.s32 $0xFFFFC000  }
0x9f: {  	[spmem:s10] =	stream.linear.scatter [tilespmem:s18], [sflag:$0x3], $0x4000, $0x38;
	[tilespmem:$0x1C800] =	vst v63  }
.Ltmp3:
0xa0: {  	_ =	swait.ge [sflag:s19], $0x4000;
	(pc) =	sbr.rel @!p0 .LBB2_4-.Ltmp3, $3  }
0xa1: {  	[sflag:s19] =	ssyncset.done $0x0  }
0xa2: {  	[sflag:s19] =	ssyncadd.s32 $0xFFFFC000  }
0xa3: {  	[bflag:$0x0] =	sbarrier.arrive $0xFFFF;
	_ =	sdelay $0x1  }
0xa4: {  	s8 =	simm.s32 $0x200;
	s9 =	simm.s32 $0x0  }
.LBB2_8:
0xa5: {  	p1 =	sne.s32 s8, $0xFE00;
	[tilespmem:s9+$0x800] =	vst v1;
	s5 =	smov.u32 s8;
	s8 =	sadd.s32 $0x200, s8  }
.Ltmp4:
0xa6: {  	(pc) =	sbr.rel @p1 .LBB2_8-.Ltmp4, $2  }
0xa7: {  	_ =	sdelay $0x2  }
0xa8: {  	s9 =	sshra.s32 s5, $0x2  }
0xa9: {  	[tilespmem:s9+$0x800] =	vst v1;
	s5 =	sadd.s32 $0x0, s16  }
0xaa: {  	[tilespmem:s20], [sflag:$0x3] =	stream.linear.gather [hbm4b:s5+s3], $0x400, $0x38;
	[tilespmem:$0x1C800] =	vst v63  }
0xab: {  	_ =	swait.ge [sflag:s19], $0x400  }
0xac: {  	[sflag:s19] =	ssyncset.done $0x0  }
0xad: {  	[sflag:s19] =	ssyncadd.s32 $0xFFFFFC00  }
0xae: {  	[spmem:s2] =	stream.indirect.scatter.add.f32 [tilespmem:s18], [sflag:$0x3], $0x80, s20, s21, $0xb8;
	[tilespmem:$0x1C800] =	vst v63  }
0xaf: {  	_ =	swait.ge [sflag:s19], $0x4000  }
0xb0: {  	[sflag:s19] =	ssyncset.done $0x0  }
0xb1: {  	[sflag:s19] =	ssyncadd.s32 $0xFFFFC000  }
0xb2: {  	[spmem:s2] =	stream.indirect.scatter.add.f32 [tilespmem:s18], [sflag:$0x3], $0x80, s22, s21, $0xb8;
	[tilespmem:$0x1C800] =	vst v63  }
0xb3: {  	_ =	swait.ge [sflag:s19], $0x4000  }
0xb4: {  	[sflag:s19] =	ssyncset.done $0x0  }
0xb5: {  	[sflag:s19] =	ssyncadd.s32 $0xFFFFC000  }
0xb6: {  	[spmem:s2] =	stream.indirect.scatter.add.f32 [tilespmem:s18], [sflag:$0x3], $0x80, s23, s21, $0xb8;
	[tilespmem:$0x1C800] =	vst v63  }
0xb7: {  	_ =	swait.ge [sflag:s19], $0x4000  }
0xb8: {  	[sflag:s19] =	ssyncset.done $0x0  }
0xb9: {  	[sflag:s19] =	ssyncadd.s32 $0xFFFFC000  }
0xba: {  	[spmem:s2] =	stream.indirect.scatter.add.f32 [tilespmem:s18], [sflag:$0x3], $0x80, s24, s21, $0xb8;
	[tilespmem:$0x1C800] =	vst v63  }
0xbb: {  	_ =	swait.ge [sflag:s19], $0x4000  }
0xbc: {  	[sflag:s19] =	ssyncset.done $0x0  }
0xbd: {  	[sflag:s19] =	ssyncadd.s32 $0xFFFFC000  }
0xbe: {  	[spmem:s2] =	stream.indirect.scatter.add.f32 [tilespmem:s18], [sflag:$0x3], $0x80, s25, s21, $0xb8;
	[tilespmem:$0x1C800] =	vst v63  }
0xbf: {  	_ =	swait.ge [sflag:s19], $0x4000  }
0xc0: {  	[sflag:s19] =	ssyncset.done $0x0  }
0xc1: {  	[sflag:s19] =	ssyncadd.s32 $0xFFFFC000  }
0xc2: {  	[spmem:s2] =	stream.indirect.scatter.add.f32 [tilespmem:s18], [sflag:$0x3], $0x80, s26, s21, $0xb8;
	[tilespmem:$0x1C800] =	vst v63  }
0xc3: {  	_ =	swait.ge [sflag:s19], $0x4000  }
0xc4: {  	[sflag:s19] =	ssyncset.done $0x0  }
0xc5: {  	[sflag:s19] =	ssyncadd.s32 $0xFFFFC000  }
0xc6: {  	[spmem:s2] =	stream.indirect.scatter.add.f32 [tilespmem:s18], [sflag:$0x3], $0x80, s28, s21, $0xb8;
	[tilespmem:$0x1C800] =	vst v63  }
0xc7: {  	_ =	swait.ge [sflag:s19], $0x4000  }
0xc8: {  	[sflag:s19] =	ssyncset.done $0x0  }
0xc9: {  	[sflag:s19] =	ssyncadd.s32 $0xFFFFC000  }
0xca: {  	[spmem:s2] =	stream.indirect.scatter.add.f32 [tilespmem:s18], [sflag:$0x3], $0x80, s29, s21, $0xb8;
	[tilespmem:$0x1C800] =	vst v63  }
0xcb: {  	_ =	swait.ge [sflag:s19], $0x4000  }
0xcc: {  	s8 =	simm.s32 $0x80;
	s10 =	simm.s32 $0x100;
	[sflag:s19] =	ssyncset.done $0x0  }
.LBB2_10:
0xcd: {  	s5 =	sadd.s32 s8, s16  }
0xce: {  	[sflag:s19] =	ssyncadd.s32 $0xFFFFC000;
	s8 =	smov.u32 s10;
	s9 =	sadd.s32 $0x80, s10  }
0xcf: {  	[tilespmem:s20], [sflag:$0x3] =	stream.linear.gather [hbm4b:s5+s3], $0x400, $0x38;
	[tilespmem:$0x1C800] =	vst v63  }
0xd0: {  	p1 =	sne.s32 s10, $0x980;
	_ =	swait.ge [sflag:s19], $0x400  }
0xd1: {  	[sflag:s19] =	ssyncset.done $0x0  }
0xd2: {  	[sflag:s19] =	ssyncadd.s32 $0xFFFFFC00  }
0xd3: {  	[spmem:s2] =	stream.indirect.scatter.add.f32 [tilespmem:s18], [sflag:$0x3], $0x80, s20, s21, $0xb8;
	[tilespmem:$0x1C800] =	vst v63  }
0xd4: {  	_ =	swait.ge [sflag:s19], $0x4000  }
0xd5: {  	[sflag:s19] =	ssyncset.done $0x0  }
0xd6: {  	[sflag:s19] =	ssyncadd.s32 $0xFFFFC000  }
0xd7: {  	[spmem:s2] =	stream.indirect.scatter.add.f32 [tilespmem:s18], [sflag:$0x3], $0x80, s22, s21, $0xb8;
	[tilespmem:$0x1C800] =	vst v63  }
0xd8: {  	_ =	swait.ge [sflag:s19], $0x4000  }
0xd9: {  	[sflag:s19] =	ssyncset.done $0x0  }
0xda: {  	[sflag:s19] =	ssyncadd.s32 $0xFFFFC000  }
0xdb: {  	[spmem:s2] =	stream.indirect.scatter.add.f32 [tilespmem:s18], [sflag:$0x3], $0x80, s23, s21, $0xb8;
	[tilespmem:$0x1C800] =	vst v63  }
0xdc: {  	_ =	swait.ge [sflag:s19], $0x4000  }
0xdd: {  	[sflag:s19] =	ssyncset.done $0x0  }
0xde: {  	[sflag:s19] =	ssyncadd.s32 $0xFFFFC000  }
0xdf: {  	[spmem:s2] =	stream.indirect.scatter.add.f32 [tilespmem:s18], [sflag:$0x3], $0x80, s24, s21, $0xb8;
	[tilespmem:$0x1C800] =	vst v63  }
0xe0: {  	_ =	swait.ge [sflag:s19], $0x4000  }
0xe1: {  	[sflag:s19] =	ssyncset.done $0x0  }
0xe2: {  	[sflag:s19] =	ssyncadd.s32 $0xFFFFC000  }
0xe3: {  	[spmem:s2] =	stream.indirect.scatter.add.f32 [tilespmem:s18], [sflag:$0x3], $0x80, s25, s21, $0xb8;
	[tilespmem:$0x1C800] =	vst v63  }
0xe4: {  	_ =	swait.ge [sflag:s19], $0x4000  }
0xe5: {  	[sflag:s19] =	ssyncset.done $0x0  }
0xe6: {  	[sflag:s19] =	ssyncadd.s32 $0xFFFFC000  }
0xe7: {  	[spmem:s2] =	stream.indirect.scatter.add.f32 [tilespmem:s18], [sflag:$0x3], $0x80, s26, s21, $0xb8;
	[tilespmem:$0x1C800] =	vst v63  }
0xe8: {  	_ =	swait.ge [sflag:s19], $0x4000  }
0xe9: {  	[sflag:s19] =	ssyncset.done $0x0  }
0xea: {  	[sflag:s19] =	ssyncadd.s32 $0xFFFFC000  }
0xeb: {  	[spmem:s2] =	stream.indirect.scatter.add.f32 [tilespmem:s18], [sflag:$0x3], $0x80, s28, s21, $0xb8;
	[tilespmem:$0x1C800] =	vst v63  }
0xec: {  	_ =	swait.ge [sflag:s19], $0x4000  }
.Ltmp5:
0xed: {  	[sflag:s19] =	ssyncset.done $0x0;
	(pc) =	sbr.rel @p1 .LBB2_10-.Ltmp5, $4  }
0xee: {  	[sflag:s19] =	ssyncadd.s32 $0xFFFFC000  }
0xef: {  	[spmem:s2] =	stream.indirect.scatter.add.f32 [tilespmem:s18], [sflag:$0x3], $0x80, s29, s21, $0xb8;
	[tilespmem:$0x1C800] =	vst v63  }
0xf0: {  	_ =	swait.ge [sflag:s19], $0x4000  }
0xf1: {  	s10 =	smov.u32 s9;
	[sflag:s19] =	ssyncset.done $0x0  }
0xf2: {  	s5 =	sadd.s32 s8, s16;
	[sflag:s19] =	ssyncadd.s32 $0xFFFFC000  }
0xf3: {  	[tilespmem:s20], [sflag:$0x3] =	stream.linear.gather [hbm4b:s5+s3], $0x400, $0x38;
	[tilespmem:$0x1C800] =	vst v63  }
0xf4: {  	_ =	swait.ge [sflag:s19], $0x400  }
0xf5: {  	[sflag:s19] =	ssyncset.done $0x0  }
0xf6: {  	[sflag:s19] =	ssyncadd.s32 $0xFFFFFC00  }
0xf7: {  	[spmem:s2] =	stream.indirect.scatter.add.f32 [tilespmem:s18], [sflag:$0x3], $0x80, s20, s21, $0xb8;
	[tilespmem:$0x1C800] =	vst v63  }
0xf8: {  	_ =	swait.ge [sflag:s19], $0x4000  }
0xf9: {  	[sflag:s19] =	ssyncset.done $0x0  }
0xfa: {  	[sflag:s19] =	ssyncadd.s32 $0xFFFFC000  }
0xfb: {  	[spmem:s2] =	stream.indirect.scatter.add.f32 [tilespmem:s18], [sflag:$0x3], $0x80, s22, s21, $0xb8;
	[tilespmem:$0x1C800] =	vst v63  }
0xfc: {  	_ =	swait.ge [sflag:s19], $0x4000  }
0xfd: {  	[sflag:s19] =	ssyncset.done $0x0  }
0xfe: {  	[sflag:s19] =	ssyncadd.s32 $0xFFFFC000  }
0xff: {  	[spmem:s2] =	stream.indirect.scatter.add.f32 [tilespmem:s18], [sflag:$0x3], $0x80, s23, s21, $0xb8;
	[tilespmem:$0x1C800] =	vst v63  }
0x100: {  	_ =	swait.ge [sflag:s19], $0x4000  }
0x101: {  	[sflag:s19] =	ssyncset.done $0x0  }
0x102: {  	[sflag:s19] =	ssyncadd.s32 $0xFFFFC000  }
0x103: {  	[spmem:s2] =	stream.indirect.scatter.add.f32 [tilespmem:s18], [sflag:$0x3], $0x80, s24, s21, $0xb8;
	[tilespmem:$0x1C800] =	vst v63  }
0x104: {  	_ =	swait.ge [sflag:s19], $0x4000  }
0x105: {  	[sflag:s19] =	ssyncset.done $0x0  }
0x106: {  	[sflag:s19] =	ssyncadd.s32 $0xFFFFC000  }
0x107: {  	[spmem:s2] =	stream.indirect.scatter.add.f32 [tilespmem:s18], [sflag:$0x3], $0x80, s25, s21, $0xb8;
	[tilespmem:$0x1C800] =	vst v63  }
0x108: {  	_ =	swait.ge [sflag:s19], $0x4000  }
0x109: {  	[sflag:s19] =	ssyncset.done $0x0  }
0x10a: {  	[sflag:s19] =	ssyncadd.s32 $0xFFFFC000  }
0x10b: {  	[spmem:s2] =	stream.indirect.scatter.add.f32 [tilespmem:s18], [sflag:$0x3], $0x80, s26, s21, $0xb8;
	[tilespmem:$0x1C800] =	vst v63  }
0x10c: {  	_ =	swait.ge [sflag:s19], $0x4000  }
0x10d: {  	[sflag:s19] =	ssyncset.done $0x0  }
0x10e: {  	[sflag:s19] =	ssyncadd.s32 $0xFFFFC000  }
0x10f: {  	[spmem:s2] =	stream.indirect.scatter.add.f32 [tilespmem:s18], [sflag:$0x3], $0x80, s28, s21, $0xb8;
	[tilespmem:$0x1C800] =	vst v63  }
0x110: {  	_ =	swait.ge [sflag:s19], $0x4000  }
0x111: {  	[sflag:s19] =	ssyncset.done $0x0  }
.Ltmp6:
0x112: {  	[sflag:s19] =	ssyncadd.s32 $0xFFFFC000;
	(pc) =	sbr.rel .LBB2_12-.Ltmp6, $4  }
0x113: {  	[spmem:s2] =	stream.indirect.scatter.add.f32 [tilespmem:s18], [sflag:$0x3], $0x80, s29, s21, $0xb8;
	[tilespmem:$0x1C800] =	vst v63  }
0x114: {  	_ =	swait.ge [sflag:s19], $0x4000  }
0x115: {  	[sflag:s19] =	ssyncset.done $0x0  }
0x116: {  	[sflag:s19] =	ssyncadd.s32 $0xFFFFC000  }
.LBB2_4:
0x117: {  	s8 =	sadd.s32 $0x0, s17  }
0x118: {  	[tilespmem:s3], [sflag:$0x3] =	stream.linear.gather [hbm4b:s8+s3], $0x400, $0x38;
	[tilespmem:$0x1C800] =	vst v63  }
0x119: {  	_ =	swait.ge [sflag:s19], $0x400  }
0x11a: {  	[sflag:s19] =	ssyncset.done $0x0  }
0x11b: {  	s11 =	sadd.s32 $0x0, s16;
	[sflag:s19] =	ssyncadd.s32 $0xFFFFFC00  }
0x11c: {  	[tilespmem:s20], [sflag:$0x3] =	stream.linear.gather [hbm4b:s11+s3], $0x400, $0x38;
	[tilespmem:$0x1C800] =	vst v63  }
0x11d: {  	_ =	swait.ge [sflag:s19], $0x400  }
0x11e: {  	[sflag:s19] =	ssyncset.done $0x0  }
0x11f: {  	[sflag:s19] =	ssyncadd.s32 $0xFFFFFC00  }
0x120: {  	[tilespmem:s18], [sflag:$0x1] =	stream.indirect.gather [hbm4b:s4+s21], $0x80, s3, s21, $0xb8;
	[tilespmem:$0x1C800] =	vst v63  }
0x121: {  	_ = 	snop  }
0x122: {  	[tilespmem:s30], [sflag:$0x2] =	stream.indirect.gather [hbm4b:s4+s21], $0x80, s21, s21, $0xb8;
	[tilespmem:$0x1C800] =	vst v63  }
0x123: {  	_ =	swait.ge [sflag:s31], $0x4000  }
0x124: {  	[sflag:s31] =	ssyncset.done $0x0  }
0x125: {  	[sflag:s31] =	ssyncadd.s32 $0xFFFFC000  }
0x126: {  	[spmem:s2] =	stream.indirect.scatter.add.f32 [tilespmem:s18], [sflag:$0x3], $0x80, s20, s21, $0xb8;
	[tilespmem:$0x1C800] =	vst v63  }
0x127: {  	_ =	swait.ge [sflag:s19], $0x4000  }
0x128: {  	[sflag:s19] =	ssyncset.done $0x0  }
0x129: {  	[sflag:s19] =	ssyncadd.s32 $0xFFFFC000  }
0x12a: {  	[tilespmem:s18], [sflag:$0x1] =	stream.indirect.gather [hbm4b:s4+s21], $0x80, s0, s21, $0xb8;
	[tilespmem:$0x1C800] =	vst v63  }
0x12b: {  	_ =	swait.ge [sflag:s1], $0x4000  }
0x12c: {  	[sflag:s1] =	ssyncset.done $0x0  }
0x12d: {  	[sflag:s1] =	ssyncadd.s32 $0xFFFFC000  }
0x12e: {  	[spmem:s2] =	stream.indirect.scatter.add.f32 [tilespmem:s30], [sflag:$0x3], $0x80, s22, s21, $0xb8;
	[tilespmem:$0x1C800] =	vst v63  }
0x12f: {  	_ =	swait.ge [sflag:s19], $0x4000  }
0x130: {  	[sflag:s19] =	ssyncset.done $0x0  }
0x131: {  	[sflag:s19] =	ssyncadd.s32 $0xFFFFC000  }
0x132: {  	[tilespmem:s30], [sflag:$0x2] =	stream.indirect.gather [hbm4b:s4+s21], $0x80, s6, s21, $0xb8;
	[tilespmem:$0x1C800] =	vst v63  }
0x133: {  	_ =	swait.ge [sflag:s31], $0x4000  }
0x134: {  	[sflag:s31] =	ssyncset.done $0x0  }
0x135: {  	[sflag:s31] =	ssyncadd.s32 $0xFFFFC000  }
0x136: {  	[spmem:s2] =	stream.indirect.scatter.add.f32 [tilespmem:s18], [sflag:$0x3], $0x80, s23, s21, $0xb8;
	[tilespmem:$0x1C800] =	vst v63  }
0x137: {  	_ =	swait.ge [sflag:s19], $0x4000  }
0x138: {  	[sflag:s19] =	ssyncset.done $0x0  }
0x139: {  	[sflag:s19] =	ssyncadd.s32 $0xFFFFC000  }
0x13a: {  	[tilespmem:s18], [sflag:$0x1] =	stream.indirect.gather [hbm4b:s4+s21], $0x80, s7, s21, $0xb8;
	[tilespmem:$0x1C800] =	vst v63  }
0x13b: {  	_ =	swait.ge [sflag:s1], $0x4000  }
0x13c: {  	[sflag:s1] =	ssyncset.done $0x0  }
0x13d: {  	[sflag:s1] =	ssyncadd.s32 $0xFFFFC000  }
0x13e: {  	[spmem:s2] =	stream.indirect.scatter.add.f32 [tilespmem:s30], [sflag:$0x3], $0x80, s24, s21, $0xb8;
	[tilespmem:$0x1C800] =	vst v63  }
0x13f: {  	_ =	swait.ge [sflag:s19], $0x4000  }
0x140: {  	[sflag:s19] =	ssyncset.done $0x0  }
0x141: {  	[sflag:s19] =	ssyncadd.s32 $0xFFFFC000  }
0x142: {  	[tilespmem:s30], [sflag:$0x2] =	stream.indirect.gather [hbm4b:s4+s21], $0x80, s12, s21, $0xb8;
	[tilespmem:$0x1C800] =	vst v63  }
0x143: {  	_ =	swait.ge [sflag:s31], $0x4000  }
0x144: {  	[sflag:s31] =	ssyncset.done $0x0  }
0x145: {  	[sflag:s31] =	ssyncadd.s32 $0xFFFFC000  }
0x146: {  	[spmem:s2] =	stream.indirect.scatter.add.f32 [tilespmem:s18], [sflag:$0x3], $0x80, s25, s21, $0xb8;
	[tilespmem:$0x1C800] =	vst v63  }
0x147: {  	_ =	swait.ge [sflag:s19], $0x4000  }
0x148: {  	[sflag:s19] =	ssyncset.done $0x0  }
0x149: {  	[sflag:s19] =	ssyncadd.s32 $0xFFFFC000  }
0x14a: {  	[tilespmem:s18], [sflag:$0x1] =	stream.indirect.gather [hbm4b:s4+s21], $0x80, s13, s21, $0xb8;
	[tilespmem:$0x1C800] =	vst v63  }
0x14b: {  	_ =	swait.ge [sflag:s1], $0x4000  }
0x14c: {  	[sflag:s1] =	ssyncset.done $0x0  }
0x14d: {  	[sflag:s1] =	ssyncadd.s32 $0xFFFFC000  }
0x14e: {  	[spmem:s2] =	stream.indirect.scatter.add.f32 [tilespmem:s30], [sflag:$0x3], $0x80, s26, s21, $0xb8;
	[tilespmem:$0x1C800] =	vst v63  }
0x14f: {  	_ =	swait.ge [sflag:s19], $0x4000  }
0x150: {  	[sflag:s19] =	ssyncset.done $0x0  }
0x151: {  	[sflag:s19] =	ssyncadd.s32 $0xFFFFC000  }
0x152: {  	[tilespmem:s30], [sflag:$0x2] =	stream.indirect.gather [hbm4b:s4+s21], $0x80, s14, s21, $0xb8;
	[tilespmem:$0x1C800] =	vst v63  }
0x153: {  	_ =	swait.ge [sflag:s31], $0x4000  }
0x154: {  	[sflag:s31] =	ssyncset.done $0x0  }
0x155: {  	[sflag:s31] =	ssyncadd.s32 $0xFFFFC000  }
0x156: {  	[spmem:s2] =	stream.indirect.scatter.add.f32 [tilespmem:s18], [sflag:$0x3], $0x80, s28, s21, $0xb8;
	[tilespmem:$0x1C800] =	vst v63  }
0x157: {  	_ =	swait.ge [sflag:s19], $0x4000  }
0x158: {  	[sflag:s19] =	ssyncset.done $0x0  }
0x159: {  	[sflag:s19] =	ssyncadd.s32 $0xFFFFC000  }
0x15a: {  	_ =	swait.ge [sflag:s1], $0x4000  }
0x15b: {  	[sflag:s1] =	ssyncset.done $0x0  }
0x15c: {  	[sflag:s1] =	ssyncadd.s32 $0xFFFFC000  }
0x15d: {  	[spmem:s2] =	stream.indirect.scatter.add.f32 [tilespmem:s30], [sflag:$0x3], $0x80, s29, s21, $0xb8;
	[tilespmem:$0x1C800] =	vst v63  }
0x15e: {  	_ =	swait.ge [sflag:s19], $0x4000  }
0x15f: {  	s9 =	simm.s32 $0x100;
	s8 =	simm.s32 $0x80;
	[sflag:s19] =	ssyncset.done $0x0  }
.LBB2_5:
0x160: {  	s11 =	sadd.s32 s8, s17  }
0x161: {  	[sflag:s19] =	ssyncadd.s32 $0xFFFFC000;
	s5 =	smov.u32 s9;
	s10 =	sadd.s32 $0x80, s9  }
0x162: {  	[tilespmem:s3], [sflag:$0x3] =	stream.linear.gather [hbm4b:s11+s3], $0x400, $0x38;
	[tilespmem:$0x1C800] =	vst v63  }
0x163: {  	p1 =	seq.s32 s9, $0x980;
	_ =	swait.ge [sflag:s19], $0x400  }
0x164: {  	[sflag:s19] =	ssyncset.done $0x0  }
0x165: {  	s9 =	sadd.s32 s8, s16;
	s8 =	smov.u32 s5;
	[sflag:s19] =	ssyncadd.s32 $0xFFFFFC00  }
0x166: {  	[tilespmem:s20], [sflag:$0x3] =	stream.linear.gather [hbm4b:s9+s3], $0x400, $0x38;
	[tilespmem:$0x1C800] =	vst v63  }
0x167: {  	_ =	swait.ge [sflag:s19], $0x400  }
0x168: {  	[sflag:s19] =	ssyncset.done $0x0  }
0x169: {  	[sflag:s19] =	ssyncadd.s32 $0xFFFFFC00  }
0x16a: {  	[tilespmem:s18], [sflag:$0x1] =	stream.indirect.gather [hbm4b:s4+s21], $0x80, s3, s21, $0xb8;
	[tilespmem:$0x1C800] =	vst v63  }
0x16b: {  	_ = 	snop  }
0x16c: {  	[tilespmem:s30], [sflag:$0x2] =	stream.indirect.gather [hbm4b:s4+s21], $0x80, s21, s21, $0xb8;
	[tilespmem:$0x1C800] =	vst v63  }
0x16d: {  	_ =	swait.ge [sflag:s31], $0x4000  }
0x16e: {  	[sflag:s31] =	ssyncset.done $0x0  }
0x16f: {  	[sflag:s31] =	ssyncadd.s32 $0xFFFFC000  }
0x170: {  	[spmem:s2] =	stream.indirect.scatter.add.f32 [tilespmem:s18], [sflag:$0x3], $0x80, s20, s21, $0xb8;
	[tilespmem:$0x1C800] =	vst v63  }
0x171: {  	_ =	swait.ge [sflag:s19], $0x4000  }
0x172: {  	[sflag:s19] =	ssyncset.done $0x0  }
0x173: {  	[sflag:s19] =	ssyncadd.s32 $0xFFFFC000  }
0x174: {  	[tilespmem:s18], [sflag:$0x1] =	stream.indirect.gather [hbm4b:s4+s21], $0x80, s0, s21, $0xb8;
	[tilespmem:$0x1C800] =	vst v63  }
0x175: {  	_ =	swait.ge [sflag:s1], $0x4000  }
0x176: {  	[sflag:s1] =	ssyncset.done $0x0  }
0x177: {  	[sflag:s1] =	ssyncadd.s32 $0xFFFFC000  }
0x178: {  	[spmem:s2] =	stream.indirect.scatter.add.f32 [tilespmem:s30], [sflag:$0x3], $0x80, s22, s21, $0xb8;
	[tilespmem:$0x1C800] =	vst v63  }
0x179: {  	_ =	swait.ge [sflag:s19], $0x4000  }
0x17a: {  	[sflag:s19] =	ssyncset.done $0x0  }
0x17b: {  	[sflag:s19] =	ssyncadd.s32 $0xFFFFC000  }
0x17c: {  	[tilespmem:s30], [sflag:$0x2] =	stream.indirect.gather [hbm4b:s4+s21], $0x80, s6, s21, $0xb8;
	[tilespmem:$0x1C800] =	vst v63  }
0x17d: {  	_ =	swait.ge [sflag:s31], $0x4000  }
0x17e: {  	[sflag:s31] =	ssyncset.done $0x0  }
0x17f: {  	[sflag:s31] =	ssyncadd.s32 $0xFFFFC000  }
0x180: {  	[spmem:s2] =	stream.indirect.scatter.add.f32 [tilespmem:s18], [sflag:$0x3], $0x80, s23, s21, $0xb8;
	[tilespmem:$0x1C800] =	vst v63  }
0x181: {  	_ =	swait.ge [sflag:s19], $0x4000  }
0x182: {  	[sflag:s19] =	ssyncset.done $0x0  }
0x183: {  	[sflag:s19] =	ssyncadd.s32 $0xFFFFC000  }
0x184: {  	[tilespmem:s18], [sflag:$0x1] =	stream.indirect.gather [hbm4b:s4+s21], $0x80, s7, s21, $0xb8;
	[tilespmem:$0x1C800] =	vst v63  }
0x185: {  	_ =	swait.ge [sflag:s1], $0x4000  }
0x186: {  	[sflag:s1] =	ssyncset.done $0x0  }
0x187: {  	[sflag:s1] =	ssyncadd.s32 $0xFFFFC000  }
0x188: {  	[spmem:s2] =	stream.indirect.scatter.add.f32 [tilespmem:s30], [sflag:$0x3], $0x80, s24, s21, $0xb8;
	[tilespmem:$0x1C800] =	vst v63  }
0x189: {  	_ =	swait.ge [sflag:s19], $0x4000  }
0x18a: {  	[sflag:s19] =	ssyncset.done $0x0  }
0x18b: {  	[sflag:s19] =	ssyncadd.s32 $0xFFFFC000  }
0x18c: {  	[tilespmem:s30], [sflag:$0x2] =	stream.indirect.gather [hbm4b:s4+s21], $0x80, s12, s21, $0xb8;
	[tilespmem:$0x1C800] =	vst v63  }
0x18d: {  	_ =	swait.ge [sflag:s31], $0x4000  }
0x18e: {  	[sflag:s31] =	ssyncset.done $0x0  }
0x18f: {  	[sflag:s31] =	ssyncadd.s32 $0xFFFFC000  }
0x190: {  	[spmem:s2] =	stream.indirect.scatter.add.f32 [tilespmem:s18], [sflag:$0x3], $0x80, s25, s21, $0xb8;
	[tilespmem:$0x1C800] =	vst v63  }
0x191: {  	_ =	swait.ge [sflag:s19], $0x4000  }
0x192: {  	[sflag:s19] =	ssyncset.done $0x0  }
0x193: {  	[sflag:s19] =	ssyncadd.s32 $0xFFFFC000  }
0x194: {  	[tilespmem:s18], [sflag:$0x1] =	stream.indirect.gather [hbm4b:s4+s21], $0x80, s13, s21, $0xb8;
	[tilespmem:$0x1C800] =	vst v63  }
0x195: {  	_ =	swait.ge [sflag:s1], $0x4000  }
0x196: {  	[sflag:s1] =	ssyncset.done $0x0  }
0x197: {  	[sflag:s1] =	ssyncadd.s32 $0xFFFFC000  }
0x198: {  	[spmem:s2] =	stream.indirect.scatter.add.f32 [tilespmem:s30], [sflag:$0x3], $0x80, s26, s21, $0xb8;
	[tilespmem:$0x1C800] =	vst v63  }
0x199: {  	_ =	swait.ge [sflag:s19], $0x4000  }
0x19a: {  	[sflag:s19] =	ssyncset.done $0x0  }
0x19b: {  	[sflag:s19] =	ssyncadd.s32 $0xFFFFC000  }
0x19c: {  	[tilespmem:s30], [sflag:$0x2] =	stream.indirect.gather [hbm4b:s4+s21], $0x80, s14, s21, $0xb8;
	[tilespmem:$0x1C800] =	vst v63  }
0x19d: {  	_ =	swait.ge [sflag:s31], $0x4000  }
0x19e: {  	[sflag:s31] =	ssyncset.done $0x0  }
0x19f: {  	[sflag:s31] =	ssyncadd.s32 $0xFFFFC000  }
0x1a0: {  	[spmem:s2] =	stream.indirect.scatter.add.f32 [tilespmem:s18], [sflag:$0x3], $0x80, s28, s21, $0xb8;
	[tilespmem:$0x1C800] =	vst v63  }
0x1a1: {  	_ =	swait.ge [sflag:s19], $0x4000  }
0x1a2: {  	[sflag:s19] =	ssyncset.done $0x0  }
0x1a3: {  	[sflag:s19] =	ssyncadd.s32 $0xFFFFC000  }
0x1a4: {  	_ =	swait.ge [sflag:s1], $0x4000  }
.Ltmp7:
0x1a5: {  	[sflag:s1] =	ssyncset.done $0x0;
	(pc) =	sbr.rel @!p1 .LBB2_5-.Ltmp7, $4  }
0x1a6: {  	[sflag:s1] =	ssyncadd.s32 $0xFFFFC000  }
0x1a7: {  	[spmem:s2] =	stream.indirect.scatter.add.f32 [tilespmem:s30], [sflag:$0x3], $0x80, s29, s21, $0xb8;
	[tilespmem:$0x1C800] =	vst v63  }
0x1a8: {  	_ =	swait.ge [sflag:s19], $0x4000  }
0x1a9: {  	s9 =	smov.u32 s10;
	[sflag:s19] =	ssyncset.done $0x0  }
.Ltmp8:
0x1aa: {  	_ = 	snop;
	(pc) =	sbr.rel .LBB2_6-.Ltmp8, $1  }
0x1ab: {  	_ =	sdelay $0x3  }
.LBB2_13:
0x1ac: {  	_ =	sfence.sel $0x180000  }
0x1ad: {  	[bflag:$0x0] =	sbarrier.arrive $0xFFFF  }
0x1ae: {  	_ =	strace $0x90000047  }
0x1af: {  	[bflag:$0x2] =	sbarrier.arrive $0xFFFF  }
0x1b0: {  	p0 =	sne.s32 s11, $0x0;
	s0 =	rddreg [dreg:$0x2]  }
0x1b1: {  	s0 =	sadd.s32 @!p0 $0x100000, s0  }
0x1b2: {  	[sflag:s0] =	ssyncadd.tile.s32 @!p0 $0x1;
	_ =	shalt  }
.Lfunc_end2:
_tile_overlayer_lowered:
.L_overlay_start_2:
0x1b3: {  	(tag) =	ssettag $0x2  }
0x1b4: {  	s0 =	rddreg [dreg:$0x0];
	s2 =	stileid.u32  }
0x1b5: {  	s1 =	rddreg [dreg:$0x1];
	p0 =	sne.s32 s2, $0x0  }
0x1b6: {  	s3 =	rddreg [dreg:$0x2];
	[bflag:$0x3] =	sbarrier.arrive $0xFFFF;
	s2 =	simm.s32 @!p0 $0x1C03  }
0x1b7: {  	[timem:s3], [sflag:s2] =	dma.local @!p0 [hbm:s0], s1  }
0x1b8: {  	s0 =	simm.s32 @!p0 $0x3  }
0x1b9: {  	_ =	swait.ge @!p0 [sflag:s0], s1  }
0x1ba: {  	s1 =	ssub.s32 @!p0 $0x0, s1;
	[sflag:s0] =	ssyncset.done @!p0 $0x0  }
0x1bb: {  	[sflag:s0] =	ssyncadd.s32 @!p0 s1  }
0x1bc: {  	[bflag:$0x3] =	sbarrier.arrive $0xFFFF  }
0x1bd: {  	_ =	shalt  }

</sc_bundles>
